<compile_context>
chip_gen: v7x
topology: tpu7x:2x2x1
jax: 0.10.2.dev20260603
libtpu: 0.0.44.dev20260713+nightly
codegen_flags: <defaults>
</compile_context>

<pallas_src>
import functools
import math

import jax
import jax.numpy as jnp
from jax import lax
from jax.experimental import pallas as pl
from jax.experimental.pallas import tpu as pltpu
from jax.experimental.pallas import tpu_sc as plsc

B, L, D, VOCAB = 1024, 200, 128, 100000
HALF = D // 2
CH = 80
NCHUNK = B * L // CH
NW = 32
CPW = NCHUNK // NW
CYC = 5
NBUF = 5
DEPTH = NBUF - 1


def _bf16_bits(x):
    u = lax.bitcast_convert_type(x, jnp.uint32)
    return (u + 0x7FFF + ((u >> 16) & 1)) >> 16


def _trig_body(trig_ref):
    pos = lax.broadcasted_iota(jnp.int32, (L, D), 0).astype(jnp.float32)
    lane = lax.broadcasted_iota(jnp.int32, (L, D), 1)
    fi = lax.rem(lane, HALF).astype(jnp.float32)
    ang = pos * jnp.exp(fi * (-math.log(10000.0) / D))
    packed = _bf16_bits(jnp.cos(ang)) | (_bf16_bits(jnp.sin(ang)) << 16)
    trig_ref[...] = jnp.where(lane < HALF, packed, 0).astype(jnp.int32)


def _make_tables():
    return pl.pallas_call(
        _trig_body,
        out_shape=jax.ShapeDtypeStruct((L, D), jnp.int32),
    )()


@functools.partial(
    pl.kernel,
    mesh=plsc.VectorSubcoreMesh(core_axis_name="c", subcore_axis_name="s"),
    out_type=jax.ShapeDtypeStruct((NCHUNK, CH, D), jnp.float32),
    scratch_types=[
        pltpu.VMEM((CPW * CH,), jnp.int32),
        pltpu.VMEM((NBUF, CH, D), jnp.float32),
        pltpu.VMEM((L, D), jnp.int32),
        pltpu.SemaphoreType.DMA,
        pltpu.SemaphoreType.DMA,
    ],
)
def _sc_rope_gather(x_hbm, table_hbm, trig_hbm, out_hbm,
                    idx_v, rows_v, trig_v, gsem, osem):
    wid = lax.axis_index("s") * 2 + lax.axis_index("c")
    pltpu.sync_copy(trig_hbm, trig_v)
    base = wid * CPW
    pltpu.sync_copy(x_hbm.at[wid], idx_v)

    def fire_gather(k, slot):
        pltpu.make_async_copy(
            table_hbm.at[idx_v.at[pl.ds(k * CH, CH)]],
            rows_v.at[slot], gsem).start()

    def wait_gather(slot):
        pltpu.make_async_copy(
            table_hbm.at[idx_v.at[pl.ds(0, CH)]],
            rows_v.at[slot], gsem).wait()

    def fire_out(k, slot):
        pltpu.make_async_copy(
            rows_v.at[slot], out_hbm.at[base + k], osem).start()

    def wait_out(k, slot):
        pltpu.make_async_copy(
            rows_v.at[slot], out_hbm.at[base + k], osem).wait()

    def rope_rows(p, lo, hi, off):
        def row_body(rr, inner):
            pos = rr + off
            for j in range(HALF // 16):
                e = rows_v[p, rr, pl.ds(j * 16, 16)]
                o = rows_v[p, rr, pl.ds(HALF + j * 16, 16)]
                w = trig_v[pos, pl.ds(j * 16, 16)]
                cv = lax.bitcast_convert_type(w << 16, jnp.float32)
                sv = lax.bitcast_convert_type(w, jnp.float32)
                rows_v[p, rr, pl.ds(j * 16, 16)] = e * cv - o * sv
                rows_v[p, rr, pl.ds(HALF + j * 16, 16)] = e * sv + o * cv
            return inner

        lax.fori_loop(lo, hi, row_body, 0)

    def compute(t, p):
        pbase = (CH * t) % L
        split = min(L - pbase, CH)
        rope_rows(p, 0, split, pbase)
        if split < CH:
            rope_rows(p, split, CH, pbase - L)

    def step(k, t, p):
        wait_gather(p)
        compute(t, p)
        fire_out(k, p)
        if t == 0:
            pl.when(k >= 1)(lambda: wait_out(k - 1, (p + DEPTH) % NBUF))
        else:
            wait_out(k - 1, (p + DEPTH) % NBUF)
        if t + DEPTH < CYC:
            fire_gather(k + DEPTH, (p + DEPTH) % NBUF)
        else:
            pl.when(k + DEPTH < CPW)(
                lambda: fire_gather(k + DEPTH, (p + DEPTH) % NBUF))

    for s in range(DEPTH):
        fire_gather(s, s)

    def cycle_body(g, carry):
        for t in range(CYC):
            step(g * CYC + t, t, t % NBUF)
        return carry

    lax.fori_loop(0, CPW // CYC, cycle_body, 0)
    wait_out(CPW - 1, (CPW - 1) % NBUF)


def kernel(x, table):
    x = x.reshape(NW, CPW * CH).astype(jnp.int32)
    table = table.astype(jnp.float32)
    trig_t = _make_tables()
    out = _sc_rope_gather(x, table, trig_t)
    return out.reshape(B, L, D)

# --- scband reference (transcript-rebuilt; emitter-appended) ---
"""Pipeline reference for scband-usta-embedding-27625229648201 (READ-ONLY COPY).

The authoritative reference and input builder live on the scoring server;
editing this copy changes nothing except your own understanding.
"""

import jax, jax.numpy as jnp
import numpy as np

B, L, D, VOCAB = 1024, 200, 128, 100000


def setup_inputs(seed: int = 0) -> dict:
    key = jax.random.key(seed)
    k1, k2 = jax.random.split(key)
    x = jax.random.randint(k1, (B, L), 0, VOCAB)
    table = jax.random.normal(k2, (VOCAB, D), dtype=jnp.float32)
    return {"x": x, "table": table}


def reference(x, table):
    emb = jnp.take(table, x, axis=0)  # [B, L, D] embedding gather
    half = D // 2
    freqs_indices = jnp.arange(0, half, dtype=jnp.float32)
    freqs = 1.0 / (10000.0 ** (freqs_indices / D))
    positions = jnp.arange(0, L, dtype=jnp.float32)[:, None]
    angles = positions * freqs  # [L, half]
    sin_angles = jnp.sin(angles)
    cos_angles = jnp.cos(angles)
    input_even = emb[:, :, :half]
    input_odd = emb[:, :, half:]
    even_rot = input_even * cos_angles - input_odd * sin_angles
    odd_rot = input_even * sin_angles + input_odd * cos_angles
    return jnp.concatenate([even_rot, odd_rot], axis=-1)

if __name__ == "__main__":
    import jax
    _d = setup_inputs()
    print(jax.jit(kernel)(*tuple(_d.values())))

</pallas_src>

<mosaic_0001>
#map = affine_map<(d0, d1) -> (0, 0)>
#map1 = affine_map<(d0, d1) -> (0, 0, 0)>
module attributes {stable_mosaic.version = 14 : i64} {
  func.func @_sc_rope_gather(%arg0: i32, %arg1: i32, %arg2: memref<32x6400xi32, #tpu.memory_space<hbm>>, %arg3: memref<100000x128xf32, #tpu.memory_space<hbm>>, %arg4: memref<200x128xi32, #tpu.memory_space<hbm>>, %arg5: memref<2560x80x128xf32, #tpu.memory_space<hbm>>, %arg6: memref<6400xi32, #tpu.memory_space<vmem>>, %arg7: memref<5x80x128xf32, #tpu.memory_space<vmem>>, %arg8: memref<200x128xi32, #tpu.memory_space<vmem>>, %arg9: memref<!tpu.dma_semaphore, #tpu.memory_space<semaphore_mem>>, %arg10: memref<!tpu.dma_semaphore, #tpu.memory_space<semaphore_mem>>) attributes {dimension_semantics = [#tpu.dimension_semantics<core_parallel>, #tpu.dimension_semantics<subcore_parallel>], iteration_bounds = array<i64: 2, 16>, scalar_prefetch = 0 : i64, scratch_operands = 5 : i64, tpu.core_type = #tpu.core_type<sc_vector_subcore>, window_params = [{transform_indices = #map}, {transform_indices = #map}, {transform_indices = #map}, {transform_indices = #map1}]} {
    %mul3A = arith.constant 2 : i32
    %mul3A_0 = arith.muli %arg1, %mul3A : i32
    %add3A = arith.addi %mul3A_0, %arg0 : i32
    "tpu.region"() ({
      %run_scoped3A = tpu.sem_alloc : memref<!tpu.dma_semaphore, #tpu.memory_space<semaphore_mem>>
      tpu.enqueue_dma source(%arg4 : memref<200x128xi32, #tpu.memory_space<hbm>>) target(%arg8 : memref<200x128xi32, #tpu.memory_space<vmem>>) target_semaphore(%run_scoped3A : memref<!tpu.dma_semaphore, #tpu.memory_space<semaphore_mem>>)
      tpu.wait_dma2 semaphore(%run_scoped3A : memref<!tpu.dma_semaphore, #tpu.memory_space<semaphore_mem>>) src(%arg4 : memref<200x128xi32, #tpu.memory_space<hbm>>) dst(%arg8 : memref<200x128xi32, #tpu.memory_space<vmem>>)
      tpu.yield
    }) : () -> ()
    %mul3A_1 = arith.constant 80 : i32
    %mul3A_2 = arith.muli %add3A, %mul3A_1 : i32
    "tpu.region"() ({
      %run_scoped3A = tpu.sem_alloc : memref<!tpu.dma_semaphore, #tpu.memory_space<semaphore_mem>>
      %dma_start3A_65 = arith.constant 0 : i32
      %dma_start3A_66 = tpu.memref_slice %arg2[%add3A, %dma_start3A_65] : memref<32x6400xi32, #tpu.memory_space<hbm>> -> memref<1x6400xi32, #tpu.memory_space<hbm>>
      %dma_start3A_67 = tpu.memref_squeeze %dma_start3A_66 : memref<1x6400xi32, #tpu.memory_space<hbm>> -> memref<6400xi32, #tpu.memory_space<hbm>>
      %dma_start3A_68 = arith.constant 0 : i32
      %dma_start3A_69 = tpu.memref_slice %arg2[%add3A, %dma_start3A_68] : memref<32x6400xi32, #tpu.memory_space<hbm>> -> memref<1x6400xi32, #tpu.memory_space<hbm>>
      %dma_start3A_70 = tpu.memref_squeeze %dma_start3A_69 : memref<1x6400xi32, #tpu.memory_space<hbm>> -> memref<6400xi32, #tpu.memory_space<hbm>>
      tpu.enqueue_dma source(%dma_start3A_70 : memref<6400xi32, #tpu.memory_space<hbm>>) target(%arg6 : memref<6400xi32, #tpu.memory_space<vmem>>) target_semaphore(%run_scoped3A : memref<!tpu.dma_semaphore, #tpu.memory_space<semaphore_mem>>)
      %dma_wait3A_71 = arith.constant 0 : i32
      %dma_wait3A_72 = tpu.memref_slice %arg2[%add3A, %dma_wait3A_71] : memref<32x6400xi32, #tpu.memory_space<hbm>> -> memref<1x6400xi32, #tpu.memory_space<hbm>>
      %dma_wait3A_73 = tpu.memref_squeeze %dma_wait3A_72 : memref<1x6400xi32, #tpu.memory_space<hbm>> -> memref<6400xi32, #tpu.memory_space<hbm>>
      %dma_wait3A_74 = arith.constant 0 : i32
      %dma_wait3A_75 = tpu.memref_slice %arg2[%add3A, %dma_wait3A_74] : memref<32x6400xi32, #tpu.memory_space<hbm>> -> memref<1x6400xi32, #tpu.memory_space<hbm>>
      %dma_wait3A_76 = tpu.memref_squeeze %dma_wait3A_75 : memref<1x6400xi32, #tpu.memory_space<hbm>> -> memref<6400xi32, #tpu.memory_space<hbm>>
      tpu.wait_dma2 semaphore(%run_scoped3A : memref<!tpu.dma_semaphore, #tpu.memory_space<semaphore_mem>>) src(%dma_wait3A_76 : memref<6400xi32, #tpu.memory_space<hbm>>) dst(%arg6 : memref<6400xi32, #tpu.memory_space<vmem>>)
      tpu.yield
    }) : () -> ()
    %dma_start3A = arith.constant 0 : i32
    %dma_start3A_3 = arith.constant 0 : i32
    %dma_start3A_4 = arith.constant 0 : i32
    %dma_start3A_5 = tpu.memref_slice %arg7[%dma_start3A, %dma_start3A_3, %dma_start3A_4] : memref<5x80x128xf32, #tpu.memory_space<vmem>> -> memref<1x80x128xf32, #tpu.memory_space<vmem>>
    %dma_start3A_6 = tpu.memref_squeeze %dma_start3A_5 : memref<1x80x128xf32, #tpu.memory_space<vmem>> -> memref<80x128xf32, #tpu.memory_space<vmem>>
    %dma_start3A_7 = arith.constant 0 : i32
    %dma_start3A_8 = tpu.memref_slice %arg6[%dma_start3A_7] : memref<6400xi32, #tpu.memory_space<vmem>> -> memref<80xi32, #tpu.memory_space<vmem>>
    %dma_start3A_9 = arith.constant 0 : i32
    %dma_start3A_10 = arith.constant 0 : i32
    %dma_start3A_11 = tpu.memref_slice %arg3[%dma_start3A_9, %dma_start3A_10] : memref<100000x128xf32, #tpu.memory_space<hbm>> -> memref<100000x128xf32, #tpu.memory_space<hbm>>
    tpu.enqueue_indirect_dma source(%dma_start3A_11 : memref<100000x128xf32, #tpu.memory_space<hbm>>) target(%dma_start3A_6 : memref<80x128xf32, #tpu.memory_space<vmem>>) offsets(%dma_start3A_8 : memref<80xi32, #tpu.memory_space<vmem>>) semaphore(%arg9 : memref<!tpu.dma_semaphore, #tpu.memory_space<semaphore_mem>>)
    %dma_start3A_12 = arith.constant 1 : i32
    %dma_start3A_13 = arith.constant 0 : i32
    %dma_start3A_14 = arith.constant 0 : i32
    %dma_start3A_15 = tpu.memref_slice %arg7[%dma_start3A_12, %dma_start3A_13, %dma_start3A_14] : memref<5x80x128xf32, #tpu.memory_space<vmem>> -> memref<1x80x128xf32, #tpu.memory_space<vmem>>
    %dma_start3A_16 = tpu.memref_squeeze %dma_start3A_15 : memref<1x80x128xf32, #tpu.memory_space<vmem>> -> memref<80x128xf32, #tpu.memory_space<vmem>>
    %dma_start3A_17 = arith.constant 80 : i32
    %dma_start3A_18 = tpu.memref_slice %arg6[%dma_start3A_17] : memref<6400xi32, #tpu.memory_space<vmem>> -> memref<80xi32, #tpu.memory_space<vmem>>
    %dma_start3A_19 = arith.constant 0 : i32
    %dma_start3A_20 = arith.constant 0 : i32
    %dma_start3A_21 = tpu.memref_slice %arg3[%dma_start3A_19, %dma_start3A_20] : memref<100000x128xf32, #tpu.memory_space<hbm>> -> memref<100000x128xf32, #tpu.memory_space<hbm>>
    tpu.enqueue_indirect_dma source(%dma_start3A_21 : memref<100000x128xf32, #tpu.memory_space<hbm>>) target(%dma_start3A_16 : memref<80x128xf32, #tpu.memory_space<vmem>>) offsets(%dma_start3A_18 : memref<80xi32, #tpu.memory_space<vmem>>) semaphore(%arg9 : memref<!tpu.dma_semaphore, #tpu.memory_space<semaphore_mem>>)
    %dma_start3A_22 = arith.constant 2 : i32
    %dma_start3A_23 = arith.constant 0 : i32
    %dma_start3A_24 = arith.constant 0 : i32
    %dma_start3A_25 = tpu.memref_slice %arg7[%dma_start3A_22, %dma_start3A_23, %dma_start3A_24] : memref<5x80x128xf32, #tpu.memory_space<vmem>> -> memref<1x80x128xf32, #tpu.memory_space<vmem>>
    %dma_start3A_26 = tpu.memref_squeeze %dma_start3A_25 : memref<1x80x128xf32, #tpu.memory_space<vmem>> -> memref<80x128xf32, #tpu.memory_space<vmem>>
    %dma_start3A_27 = arith.constant 160 : i32
    %dma_start3A_28 = tpu.memref_slice %arg6[%dma_start3A_27] : memref<6400xi32, #tpu.memory_space<vmem>> -> memref<80xi32, #tpu.memory_space<vmem>>
    %dma_start3A_29 = arith.constant 0 : i32
    %dma_start3A_30 = arith.constant 0 : i32
    %dma_start3A_31 = tpu.memref_slice %arg3[%dma_start3A_29, %dma_start3A_30] : memref<100000x128xf32, #tpu.memory_space<hbm>> -> memref<100000x128xf32, #tpu.memory_space<hbm>>
    tpu.enqueue_indirect_dma source(%dma_start3A_31 : memref<100000x128xf32, #tpu.memory_space<hbm>>) target(%dma_start3A_26 : memref<80x128xf32, #tpu.memory_space<vmem>>) offsets(%dma_start3A_28 : memref<80xi32, #tpu.memory_space<vmem>>) semaphore(%arg9 : memref<!tpu.dma_semaphore, #tpu.memory_space<semaphore_mem>>)
    %dma_start3A_32 = arith.constant 3 : i32
    %dma_start3A_33 = arith.constant 0 : i32
    %dma_start3A_34 = arith.constant 0 : i32
    %dma_start3A_35 = tpu.memref_slice %arg7[%dma_start3A_32, %dma_start3A_33, %dma_start3A_34] : memref<5x80x128xf32, #tpu.memory_space<vmem>> -> memref<1x80x128xf32, #tpu.memory_space<vmem>>
    %dma_start3A_36 = tpu.memref_squeeze %dma_start3A_35 : memref<1x80x128xf32, #tpu.memory_space<vmem>> -> memref<80x128xf32, #tpu.memory_space<vmem>>
    %dma_start3A_37 = arith.constant 240 : i32
    %dma_start3A_38 = tpu.memref_slice %arg6[%dma_start3A_37] : memref<6400xi32, #tpu.memory_space<vmem>> -> memref<80xi32, #tpu.memory_space<vmem>>
    %dma_start3A_39 = arith.constant 0 : i32
    %dma_start3A_40 = arith.constant 0 : i32
    %dma_start3A_41 = tpu.memref_slice %arg3[%dma_start3A_39, %dma_start3A_40] : memref<100000x128xf32, #tpu.memory_space<hbm>> -> memref<100000x128xf32, #tpu.memory_space<hbm>>
    tpu.enqueue_indirect_dma source(%dma_start3A_41 : memref<100000x128xf32, #tpu.memory_space<hbm>>) target(%dma_start3A_36 : memref<80x128xf32, #tpu.memory_space<vmem>>) offsets(%dma_start3A_38 : memref<80xi32, #tpu.memory_space<vmem>>) semaphore(%arg9 : memref<!tpu.dma_semaphore, #tpu.memory_space<semaphore_mem>>)
    %scan3A = arith.constant 0 : i32
    %scan3A_42 = arith.constant 0 : i32
    %scan3A_43 = arith.constant 16 : i32
    %scan3A_44 = arith.addi %scan3A_42, %scan3A_43 : i32
    %scan3A_45 = arith.constant 1 : i32
    scf.for %scan3A_65 = %scan3A_42 to %scan3A_44 step %scan3A_45  : i32 {
      %mul3A_66 = arith.constant 5 : i32
      %mul3A_67 = arith.muli %scan3A_65, %mul3A_66 : i32
      %add3A_68 = arith.constant 0 : i32
      %add3A_69 = arith.addi %mul3A_67, %add3A_68 : i32
      %dma_wait3A_70 = arith.constant 0 : i32
      %dma_wait3A_71 = arith.constant 0 : i32
      %dma_wait3A_72 = arith.constant 0 : i32
      %dma_wait3A_73 = tpu.memref_slice %arg7[%dma_wait3A_70, %dma_wait3A_71, %dma_wait3A_72] : memref<5x80x128xf32, #tpu.memory_space<vmem>> -> memref<1x80x128xf32, #tpu.memory_space<vmem>>
      %dma_wait3A_74 = tpu.memref_squeeze %dma_wait3A_73 : memref<1x80x128xf32, #tpu.memory_space<vmem>> -> memref<80x128xf32, #tpu.memory_space<vmem>>
      %dma_wait3A_75 = arith.constant 0 : i32
      %dma_wait3A_76 = tpu.memref_slice %arg6[%dma_wait3A_75] : memref<6400xi32, #tpu.memory_space<vmem>> -> memref<80xi32, #tpu.memory_space<vmem>>
      %dma_wait3A_77 = arith.constant 0 : i32
      %dma_wait3A_78 = arith.constant 0 : i32
      %dma_wait3A_79 = tpu.memref_slice %arg3[%dma_wait3A_77, %dma_wait3A_78] : memref<100000x128xf32, #tpu.memory_space<hbm>> -> memref<100000x128xf32, #tpu.memory_space<hbm>>
      tpu.wait_indirect_dma semaphore(%arg9 : memref<!tpu.dma_semaphore, #tpu.memory_space<semaphore_mem>>) src(%dma_wait3A_79 : memref<100000x128xf32, #tpu.memory_space<hbm>>) dst(%dma_wait3A_74 : memref<80x128xf32, #tpu.memory_space<vmem>>)
      %scan3A_80 = arith.constant 0 : i32
      %scan3A_81 = arith.constant 0 : i32
      %scan3A_82 = arith.constant 80 : i32
      %scan3A_83 = arith.addi %scan3A_81, %scan3A_82 : i32
      %scan3A_84 = arith.constant 1 : i32
      scf.for %scan3A_383 = %scan3A_81 to %scan3A_83 step %scan3A_84  : i32 {
        %add3A_384 = arith.constant 0 : i32
        %add3A_385 = arith.addi %scan3A_383, %add3A_384 : i32
        %get3A = arith.constant 0 : i32
        %get3A_386 = arith.index_cast %get3A : i32 to index
        %get3A_387 = arith.index_cast %scan3A_383 : i32 to index
        %get3A_388 = arith.constant 0 : index
        %get3A_389 = tpu.vector_load %arg7[%get3A_386, %get3A_387, %get3A_388] {strides = array<i32>} : memref<5x80x128xf32, #tpu.memory_space<vmem>>, vector<1x1x16xf32>,
        %get3A_390 = vector.shape_cast %get3A_389 : vector<1x1x16xf32> to vector<16xf32>
        %get3A_391 = arith.constant 0 : i32
        %get3A_392 = arith.index_cast %get3A_391 : i32 to index
        %get3A_393 = arith.index_cast %scan3A_383 : i32 to index
        %get3A_394 = arith.constant 64 : index
        %get3A_395 = tpu.vector_load %arg7[%get3A_392, %get3A_393, %get3A_394] {strides = array<i32>} : memref<5x80x128xf32, #tpu.memory_space<vmem>>, vector<1x1x16xf32>,
        %get3A_396 = vector.shape_cast %get3A_395 : vector<1x1x16xf32> to vector<16xf32>
        %get3A_397 = arith.index_cast %add3A_385 : i32 to index
        %get3A_398 = arith.constant 0 : index
        %get3A_399 = tpu.vector_load %arg8[%get3A_397, %get3A_398] {strides = array<i32>} : memref<200x128xi32, #tpu.memory_space<vmem>>, vector<1x16xi32>,
        %get3A_400 = vector.shape_cast %get3A_399 : vector<1x16xi32> to vector<16xi32>
        %shift_left3A = arith.constant 16 : i32
        %shift_left3A_401 = vector.broadcast %shift_left3A : i32 to vector<16xi32>
        %shift_left3A_402 = arith.shli %get3A_400, %shift_left3A_401 : vector<16xi32>
        %bitcast_convert_type3A = tpu.bitcast %shift_left3A_402 : vector<16xi32> -> vector<16xf32>
        %bitcast_convert_type3A_403 = tpu.bitcast %get3A_400 : vector<16xi32> -> vector<16xf32>
        %mul3A_404 = arith.mulf %get3A_390, %bitcast_convert_type3A : vector<16xf32>
        %mul3A_405 = arith.mulf %get3A_396, %bitcast_convert_type3A_403 : vector<16xf32>
        %sub3A_406 = arith.subf %mul3A_404, %mul3A_405 : vector<16xf32>
        %swap3A = arith.constant 0 : i32
        %swap3A_407 = arith.index_cast %swap3A : i32 to index
        %swap3A_408 = arith.index_cast %scan3A_383 : i32 to index
        %swap3A_409 = arith.constant 0 : index
        %swap3A_410 = tpu.vector_load %arg7[%swap3A_407, %swap3A_408, %swap3A_409] {strides = array<i32>} : memref<5x80x128xf32, #tpu.memory_space<vmem>>, vector<1x1x16xf32>,
        %swap3A_411 = vector.shape_cast %swap3A_410 : vector<1x1x16xf32> to vector<16xf32>
        %swap3A_412 = vector.shape_cast %sub3A_406 : vector<16xf32> to vector<1x1x16xf32>
        tpu.vector_store %arg7[%swap3A_407, %swap3A_408, %swap3A_409], %swap3A_412 {strides = array<i32>} : memref<5x80x128xf32, #tpu.memory_space<vmem>>, vector<1x1x16xf32>,
        %mul3A_413 = arith.mulf %get3A_390, %bitcast_convert_type3A_403 : vector<16xf32>
        %mul3A_414 = arith.mulf %get3A_396, %bitcast_convert_type3A : vector<16xf32>
        %add3A_415 = arith.addf %mul3A_413, %mul3A_414 : vector<16xf32>
        %swap3A_416 = arith.constant 0 : i32
        %swap3A_417 = arith.index_cast %swap3A_416 : i32 to index
        %swap3A_418 = arith.index_cast %scan3A_383 : i32 to index
        %swap3A_419 = arith.constant 64 : index
        %swap3A_420 = tpu.vector_load %arg7[%swap3A_417, %swap3A_418, %swap3A_419] {strides = array<i32>} : memref<5x80x128xf32, #tpu.memory_space<vmem>>, vector<1x1x16xf32>,
        %swap3A_421 = vector.shape_cast %swap3A_420 : vector<1x1x16xf32> to vector<16xf32>
        %swap3A_422 = vector.shape_cast %add3A_415 : vector<16xf32> to vector<1x1x16xf32>
        tpu.vector_store %arg7[%swap3A_417, %swap3A_418, %swap3A_419], %swap3A_422 {strides = array<i32>} : memref<5x80x128xf32, #tpu.memory_space<vmem>>, vector<1x1x16xf32>,
        %get3A_423 = arith.constant 0 : i32
        %get3A_424 = arith.index_cast %get3A_423 : i32 to index
        %get3A_425 = arith.index_cast %scan3A_383 : i32 to index
        %get3A_426 = arith.constant 16 : index
        %get3A_427 = tpu.vector_load %arg7[%get3A_424, %get3A_425, %get3A_426] {strides = array<i32>} : memref<5x80x128xf32, #tpu.memory_space<vmem>>, vector<1x1x16xf32>,
        %get3A_428 = vector.shape_cast %get3A_427 : vector<1x1x16xf32> to vector<16xf32>
        %get3A_429 = arith.constant 0 : i32
        %get3A_430 = arith.index_cast %get3A_429 : i32 to index
        %get3A_431 = arith.index_cast %scan3A_383 : i32 to index
        %get3A_432 = arith.constant 80 : index
        %get3A_433 = tpu.vector_load %arg7[%get3A_430, %get3A_431, %get3A_432] {strides = array<i32>} : memref<5x80x128xf32, #tpu.memory_space<vmem>>, vector<1x1x16xf32>,
        %get3A_434 = vector.shape_cast %get3A_433 : vector<1x1x16xf32> to vector<16xf32>
        %get3A_435 = arith.index_cast %add3A_385 : i32 to index
        %get3A_436 = arith.constant 16 : index
        %get3A_437 = tpu.vector_load %arg8[%get3A_435, %get3A_436] {strides = array<i32>} : memref<200x128xi32, #tpu.memory_space<vmem>>, vector<1x16xi32>,
        %get3A_438 = vector.shape_cast %get3A_437 : vector<1x16xi32> to vector<16xi32>
        %shift_left3A_439 = arith.constant 16 : i32
        %shift_left3A_440 = vector.broadcast %shift_left3A_439 : i32 to vector<16xi32>
        %shift_left3A_441 = arith.shli %get3A_438, %shift_left3A_440 : vector<16xi32>
        %bitcast_convert_type3A_442 = tpu.bitcast %shift_left3A_441 : vector<16xi32> -> vector<16xf32>
        %bitcast_convert_type3A_443 = tpu.bitcast %get3A_438 : vector<16xi32> -> vector<16xf32>
        %mul3A_444 = arith.mulf %get3A_428, %bitcast_convert_type3A_442 : vector<16xf32>
        %mul3A_445 = arith.mulf %get3A_434, %bitcast_convert_type3A_443 : vector<16xf32>
        %sub3A_446 = arith.subf %mul3A_444, %mul3A_445 : vector<16xf32>
        %swap3A_447 = arith.constant 0 : i32
        %swap3A_448 = arith.index_cast %swap3A_447 : i32 to index
        %swap3A_449 = arith.index_cast %scan3A_383 : i32 to index
        %swap3A_450 = arith.constant 16 : index
        %swap3A_451 = tpu.vector_load %arg7[%swap3A_448, %swap3A_449, %swap3A_450] {strides = array<i32>} : memref<5x80x128xf32, #tpu.memory_space<vmem>>, vector<1x1x16xf32>,
        %swap3A_452 = vector.shape_cast %swap3A_451 : vector<1x1x16xf32> to vector<16xf32>
        %swap3A_453 = vector.shape_cast %sub3A_446 : vector<16xf32> to vector<1x1x16xf32>
        tpu.vector_store %arg7[%swap3A_448, %swap3A_449, %swap3A_450], %swap3A_453 {strides = array<i32>} : memref<5x80x128xf32, #tpu.memory_space<vmem>>, vector<1x1x16xf32>,
        %mul3A_454 = arith.mulf %get3A_428, %bitcast_convert_type3A_443 : vector<16xf32>
        %mul3A_455 = arith.mulf %get3A_434, %bitcast_convert_type3A_442 : vector<16xf32>
        %add3A_456 = arith.addf %mul3A_454, %mul3A_455 : vector<16xf32>
        %swap3A_457 = arith.constant 0 : i32
        %swap3A_458 = arith.index_cast %swap3A_457 : i32 to index
        %swap3A_459 = arith.index_cast %scan3A_383 : i32 to index
        %swap3A_460 = arith.constant 80 : index
        %swap3A_461 = tpu.vector_load %arg7[%swap3A_458, %swap3A_459, %swap3A_460] {strides = array<i32>} : memref<5x80x128xf32, #tpu.memory_space<vmem>>, vector<1x1x16xf32>,
        %swap3A_462 = vector.shape_cast %swap3A_461 : vector<1x1x16xf32> to vector<16xf32>
        %swap3A_463 = vector.shape_cast %add3A_456 : vector<16xf32> to vector<1x1x16xf32>
        tpu.vector_store %arg7[%swap3A_458, %swap3A_459, %swap3A_460], %swap3A_463 {strides = array<i32>} : memref<5x80x128xf32, #tpu.memory_space<vmem>>, vector<1x1x16xf32>,
        %get3A_464 = arith.constant 0 : i32
        %get3A_465 = arith.index_cast %get3A_464 : i32 to index
        %get3A_466 = arith.index_cast %scan3A_383 : i32 to index
        %get3A_467 = arith.constant 32 : index
        %get3A_468 = tpu.vector_load %arg7[%get3A_465, %get3A_466, %get3A_467] {strides = array<i32>} : memref<5x80x128xf32, #tpu.memory_space<vmem>>, vector<1x1x16xf32>,
        %get3A_469 = vector.shape_cast %get3A_468 : vector<1x1x16xf32> to vector<16xf32>
        %get3A_470 = arith.constant 0 : i32
        %get3A_471 = arith.index_cast %get3A_470 : i32 to index
        %get3A_472 = arith.index_cast %scan3A_383 : i32 to index
        %get3A_473 = arith.constant 96 : index
        %get3A_474 = tpu.vector_load %arg7[%get3A_471, %get3A_472, %get3A_473] {strides = array<i32>} : memref<5x80x128xf32, #tpu.memory_space<vmem>>, vector<1x1x16xf32>,
        %get3A_475 = vector.shape_cast %get3A_474 : vector<1x1x16xf32> to vector<16xf32>
        %get3A_476 = arith.index_cast %add3A_385 : i32 to index
        %get3A_477 = arith.constant 32 : index
        %get3A_478 = tpu.vector_load %arg8[%get3A_476, %get3A_477] {strides = array<i32>} : memref<200x128xi32, #tpu.memory_space<vmem>>, vector<1x16xi32>,
        %get3A_479 = vector.shape_cast %get3A_478 : vector<1x16xi32> to vector<16xi32>
        %shift_left3A_480 = arith.constant 16 : i32
        %shift_left3A_481 = vector.broadcast %shift_left3A_480 : i32 to vector<16xi32>
        %shift_left3A_482 = arith.shli %get3A_479, %shift_left3A_481 : vector<16xi32>
        %bitcast_convert_type3A_483 = tpu.bitcast %shift_left3A_482 : vector<16xi32> -> vector<16xf32>
        %bitcast_convert_type3A_484 = tpu.bitcast %get3A_479 : vector<16xi32> -> vector<16xf32>
        %mul3A_485 = arith.mulf %get3A_469, %bitcast_convert_type3A_483 : vector<16xf32>
        %mul3A_486 = arith.mulf %get3A_475, %bitcast_convert_type3A_484 : vector<16xf32>
        %sub3A_487 = arith.subf %mul3A_485, %mul3A_486 : vector<16xf32>
        %swap3A_488 = arith.constant 0 : i32
        %swap3A_489 = arith.index_cast %swap3A_488 : i32 to index
        %swap3A_490 = arith.index_cast %scan3A_383 : i32 to index
        %swap3A_491 = arith.constant 32 : index
        %swap3A_492 = tpu.vector_load %arg7[%swap3A_489, %swap3A_490, %swap3A_491] {strides = array<i32>} : memref<5x80x128xf32, #tpu.memory_space<vmem>>, vector<1x1x16xf32>,
        %swap3A_493 = vector.shape_cast %swap3A_492 : vector<1x1x16xf32> to vector<16xf32>
        %swap3A_494 = vector.shape_cast %sub3A_487 : vector<16xf32> to vector<1x1x16xf32>
        tpu.vector_store %arg7[%swap3A_489, %swap3A_490, %swap3A_491], %swap3A_494 {strides = array<i32>} : memref<5x80x128xf32, #tpu.memory_space<vmem>>, vector<1x1x16xf32>,
        %mul3A_495 = arith.mulf %get3A_469, %bitcast_convert_type3A_484 : vector<16xf32>
        %mul3A_496 = arith.mulf %get3A_475, %bitcast_convert_type3A_483 : vector<16xf32>
        %add3A_497 = arith.addf %mul3A_495, %mul3A_496 : vector<16xf32>
        %swap3A_498 = arith.constant 0 : i32
        %swap3A_499 = arith.index_cast %swap3A_498 : i32 to index
        %swap3A_500 = arith.index_cast %scan3A_383 : i32 to index
        %swap3A_501 = arith.constant 96 : index
        %swap3A_502 = tpu.vector_load %arg7[%swap3A_499, %swap3A_500, %swap3A_501] {strides = array<i32>} : memref<5x80x128xf32, #tpu.memory_space<vmem>>, vector<1x1x16xf32>,
        %swap3A_503 = vector.shape_cast %swap3A_502 : vector<1x1x16xf32> to vector<16xf32>
        %swap3A_504 = vector.shape_cast %add3A_497 : vector<16xf32> to vector<1x1x16xf32>
        tpu.vector_store %arg7[%swap3A_499, %swap3A_500, %swap3A_501], %swap3A_504 {strides = array<i32>} : memref<5x80x128xf32, #tpu.memory_space<vmem>>, vector<1x1x16xf32>,
        %get3A_505 = arith.constant 0 : i32
        %get3A_506 = arith.index_cast %get3A_505 : i32 to index
        %get3A_507 = arith.index_cast %scan3A_383 : i32 to index
        %get3A_508 = arith.constant 48 : index
        %get3A_509 = tpu.vector_load %arg7[%get3A_506, %get3A_507, %get3A_508] {strides = array<i32>} : memref<5x80x128xf32, #tpu.memory_space<vmem>>, vector<1x1x16xf32>,
        %get3A_510 = vector.shape_cast %get3A_509 : vector<1x1x16xf32> to vector<16xf32>
        %get3A_511 = arith.constant 0 : i32
        %get3A_512 = arith.index_cast %get3A_511 : i32 to index
        %get3A_513 = arith.index_cast %scan3A_383 : i32 to index
        %get3A_514 = arith.constant 112 : index
        %get3A_515 = tpu.vector_load %arg7[%get3A_512, %get3A_513, %get3A_514] {strides = array<i32>} : memref<5x80x128xf32, #tpu.memory_space<vmem>>, vector<1x1x16xf32>,
        %get3A_516 = vector.shape_cast %get3A_515 : vector<1x1x16xf32> to vector<16xf32>
        %get3A_517 = arith.index_cast %add3A_385 : i32 to index
        %get3A_518 = arith.constant 48 : index
        %get3A_519 = tpu.vector_load %arg8[%get3A_517, %get3A_518] {strides = array<i32>} : memref<200x128xi32, #tpu.memory_space<vmem>>, vector<1x16xi32>,
        %get3A_520 = vector.shape_cast %get3A_519 : vector<1x16xi32> to vector<16xi32>
        %shift_left3A_521 = arith.constant 16 : i32
        %shift_left3A_522 = vector.broadcast %shift_left3A_521 : i32 to vector<16xi32>
        %shift_left3A_523 = arith.shli %get3A_520, %shift_left3A_522 : vector<16xi32>
        %bitcast_convert_type3A_524 = tpu.bitcast %shift_left3A_523 : vector<16xi32> -> vector<16xf32>
        %bitcast_convert_type3A_525 = tpu.bitcast %get3A_520 : vector<16xi32> -> vector<16xf32>
        %mul3A_526 = arith.mulf %get3A_510, %bitcast_convert_type3A_524 : vector<16xf32>
        %mul3A_527 = arith.mulf %get3A_516, %bitcast_convert_type3A_525 : vector<16xf32>
        %sub3A_528 = arith.subf %mul3A_526, %mul3A_527 : vector<16xf32>
        %swap3A_529 = arith.constant 0 : i32
        %swap3A_530 = arith.index_cast %swap3A_529 : i32 to index
        %swap3A_531 = arith.index_cast %scan3A_383 : i32 to index
        %swap3A_532 = arith.constant 48 : index
        %swap3A_533 = tpu.vector_load %arg7[%swap3A_530, %swap3A_531, %swap3A_532] {strides = array<i32>} : memref<5x80x128xf32, #tpu.memory_space<vmem>>, vector<1x1x16xf32>,
        %swap3A_534 = vector.shape_cast %swap3A_533 : vector<1x1x16xf32> to vector<16xf32>
        %swap3A_535 = vector.shape_cast %sub3A_528 : vector<16xf32> to vector<1x1x16xf32>
        tpu.vector_store %arg7[%swap3A_530, %swap3A_531, %swap3A_532], %swap3A_535 {strides = array<i32>} : memref<5x80x128xf32, #tpu.memory_space<vmem>>, vector<1x1x16xf32>,
        %mul3A_536 = arith.mulf %get3A_510, %bitcast_convert_type3A_525 : vector<16xf32>
        %mul3A_537 = arith.mulf %get3A_516, %bitcast_convert_type3A_524 : vector<16xf32>
        %add3A_538 = arith.addf %mul3A_536, %mul3A_537 : vector<16xf32>
        %swap3A_539 = arith.constant 0 : i32
        %swap3A_540 = arith.index_cast %swap3A_539 : i32 to index
        %swap3A_541 = arith.index_cast %scan3A_383 : i32 to index
        %swap3A_542 = arith.constant 112 : index
        %swap3A_543 = tpu.vector_load %arg7[%swap3A_540, %swap3A_541, %swap3A_542] {strides = array<i32>} : memref<5x80x128xf32, #tpu.memory_space<vmem>>, vector<1x1x16xf32>,
        %swap3A_544 = vector.shape_cast %swap3A_543 : vector<1x1x16xf32> to vector<16xf32>
        %swap3A_545 = vector.shape_cast %add3A_538 : vector<16xf32> to vector<1x1x16xf32>
        tpu.vector_store %arg7[%swap3A_540, %swap3A_541, %swap3A_542], %swap3A_545 {strides = array<i32>} : memref<5x80x128xf32, #tpu.memory_space<vmem>>, vector<1x1x16xf32>,
      }
      %scan3A_85 = arith.constant 80 : i32
      %add3A_86 = arith.addi %mul3A_2, %add3A_69 : i32
      %dma_start3A_87 = arith.constant 0 : i32
      %dma_start3A_88 = arith.constant 0 : i32
      %dma_start3A_89 = arith.constant 0 : i32
      %dma_start3A_90 = tpu.memref_slice %arg7[%dma_start3A_87, %dma_start3A_88, %dma_start3A_89] : memref<5x80x128xf32, #tpu.memory_space<vmem>> -> memref<1x80x128xf32, #tpu.memory_space<vmem>>
      %dma_start3A_91 = tpu.memref_squeeze %dma_start3A_90 : memref<1x80x128xf32, #tpu.memory_space<vmem>> -> memref<80x128xf32, #tpu.memory_space<vmem>>
      %dma_start3A_92 = arith.constant 0 : i32
      %dma_start3A_93 = arith.constant 0 : i32
      %dma_start3A_94 = tpu.memref_slice %arg5[%add3A_86, %dma_start3A_92, %dma_start3A_93] : memref<2560x80x128xf32, #tpu.memory_space<hbm>> -> memref<1x80x128xf32, #tpu.memory_space<hbm>>
      %dma_start3A_95 = tpu.memref_squeeze %dma_start3A_94 : memref<1x80x128xf32, #tpu.memory_space<hbm>> -> memref<80x128xf32, #tpu.memory_space<hbm>>
      %dma_start3A_96 = arith.constant 0 : i32
      %dma_start3A_97 = arith.constant 0 : i32
      %dma_start3A_98 = tpu.memref_slice %arg5[%add3A_86, %dma_start3A_96, %dma_start3A_97] : memref<2560x80x128xf32, #tpu.memory_space<hbm>> -> memref<1x80x128xf32, #tpu.memory_space<hbm>>
      %dma_start3A_99 = tpu.memref_squeeze %dma_start3A_98 : memref<1x80x128xf32, #tpu.memory_space<hbm>> -> memref<80x128xf32, #tpu.memory_space<hbm>>
      %dma_start3A_100 = arith.constant 0 : i32
      %dma_start3A_101 = arith.constant 0 : i32
      %dma_start3A_102 = tpu.memref_slice %arg7[%dma_start3A_87, %dma_start3A_100, %dma_start3A_101] : memref<5x80x128xf32, #tpu.memory_space<vmem>> -> memref<1x80x128xf32, #tpu.memory_space<vmem>>
      %dma_start3A_103 = tpu.memref_squeeze %dma_start3A_102 : memref<1x80x128xf32, #tpu.memory_space<vmem>> -> memref<80x128xf32, #tpu.memory_space<vmem>>
      tpu.enqueue_dma source(%dma_start3A_103 : memref<80x128xf32, #tpu.memory_space<vmem>>) target(%dma_start3A_99 : memref<80x128xf32, #tpu.memory_space<hbm>>) target_semaphore(%arg10 : memref<!tpu.dma_semaphore, #tpu.memory_space<semaphore_mem>>)
      %ge3A = arith.constant 1 : i32
      %ge3A_104 = arith.cmpi sge, %add3A_69, %ge3A : i32
      %convert_element_type3A = arith.extui %ge3A_104 : i1 to i32
      %cond3A = arith.constant 0 : i32
      %cond3A_105 = arith.cmpi ne, %convert_element_type3A, %cond3A : i32
      scf.if %cond3A_105 {
        %sub3A_383 = arith.constant 1 : i32
        %sub3A_384 = arith.subi %add3A_69, %sub3A_383 : i32
        %add3A_385 = arith.addi %mul3A_2, %sub3A_384 : i32
        %dma_wait3A_386 = arith.constant 4 : i32
        %dma_wait3A_387 = arith.constant 0 : i32
        %dma_wait3A_388 = arith.constant 0 : i32
        %dma_wait3A_389 = tpu.memref_slice %arg7[%dma_wait3A_386, %dma_wait3A_387, %dma_wait3A_388] : memref<5x80x128xf32, #tpu.memory_space<vmem>> -> memref<1x80x128xf32, #tpu.memory_space<vmem>>
        %dma_wait3A_390 = tpu.memref_squeeze %dma_wait3A_389 : memref<1x80x128xf32, #tpu.memory_space<vmem>> -> memref<80x128xf32, #tpu.memory_space<vmem>>
        %dma_wait3A_391 = arith.constant 0 : i32
        %dma_wait3A_392 = arith.constant 0 : i32
        %dma_wait3A_393 = tpu.memref_slice %arg5[%add3A_385, %dma_wait3A_391, %dma_wait3A_392] : memref<2560x80x128xf32, #tpu.memory_space<hbm>> -> memref<1x80x128xf32, #tpu.memory_space<hbm>>
        %dma_wait3A_394 = tpu.memref_squeeze %dma_wait3A_393 : memref<1x80x128xf32, #tpu.memory_space<hbm>> -> memref<80x128xf32, #tpu.memory_space<hbm>>
        %dma_wait3A_395 = arith.constant 0 : i32
        %dma_wait3A_396 = arith.constant 0 : i32
        %dma_wait3A_397 = tpu.memref_slice %arg5[%add3A_385, %dma_wait3A_395, %dma_wait3A_396] : memref<2560x80x128xf32, #tpu.memory_space<hbm>> -> memref<1x80x128xf32, #tpu.memory_space<hbm>>
        %dma_wait3A_398 = tpu.memref_squeeze %dma_wait3A_397 : memref<1x80x128xf32, #tpu.memory_space<hbm>> -> memref<80x128xf32, #tpu.memory_space<hbm>>
        %dma_wait3A_399 = arith.constant 0 : i32
        %dma_wait3A_400 = arith.constant 0 : i32
        %dma_wait3A_401 = tpu.memref_slice %arg7[%dma_wait3A_386, %dma_wait3A_399, %dma_wait3A_400] : memref<5x80x128xf32, #tpu.memory_space<vmem>> -> memref<1x80x128xf32, #tpu.memory_space<vmem>>
        %dma_wait3A_402 = tpu.memref_squeeze %dma_wait3A_401 : memref<1x80x128xf32, #tpu.memory_space<vmem>> -> memref<80x128xf32, #tpu.memory_space<vmem>>
        tpu.wait_dma2 semaphore(%arg10 : memref<!tpu.dma_semaphore, #tpu.memory_space<semaphore_mem>>) src(%dma_wait3A_402 : memref<80x128xf32, #tpu.memory_space<vmem>>) dst(%dma_wait3A_398 : memref<80x128xf32, #tpu.memory_space<hbm>>)
      } else {
      }
      %add3A_106 = arith.constant 4 : i32
      %add3A_107 = arith.addi %add3A_69, %add3A_106 : i32
      %mul3A_108 = arith.constant 80 : i32
      %mul3A_109 = arith.muli %add3A_107, %mul3A_108 : i32
      %dma_start3A_110 = arith.constant 4 : i32
      %dma_start3A_111 = arith.constant 0 : i32
      %dma_start3A_112 = arith.constant 0 : i32
      %dma_start3A_113 = tpu.memref_slice %arg7[%dma_start3A_110, %dma_start3A_111, %dma_start3A_112] : memref<5x80x128xf32, #tpu.memory_space<vmem>> -> memref<1x80x128xf32, #tpu.memory_space<vmem>>
      %dma_start3A_114 = tpu.memref_squeeze %dma_start3A_113 : memref<1x80x128xf32, #tpu.memory_space<vmem>> -> memref<80x128xf32, #tpu.memory_space<vmem>>
      %dma_start3A_115 = tpu.memref_slice %arg6[%mul3A_109] : memref<6400xi32, #tpu.memory_space<vmem>> -> memref<80xi32, #tpu.memory_space<vmem>>
      %dma_start3A_116 = arith.constant 0 : i32
      %dma_start3A_117 = arith.constant 0 : i32
      %dma_start3A_118 = tpu.memref_slice %arg3[%dma_start3A_116, %dma_start3A_117] : memref<100000x128xf32, #tpu.memory_space<hbm>> -> memref<100000x128xf32, #tpu.memory_space<hbm>>
      tpu.enqueue_indirect_dma source(%dma_start3A_118 : memref<100000x128xf32, #tpu.memory_space<hbm>>) target(%dma_start3A_114 : memref<80x128xf32, #tpu.memory_space<vmem>>) offsets(%dma_start3A_115 : memref<80xi32, #tpu.memory_space<vmem>>) semaphore(%arg9 : memref<!tpu.dma_semaphore, #tpu.memory_space<semaphore_mem>>)
      %mul3A_119 = arith.constant 5 : i32
      %mul3A_120 = arith.muli %scan3A_65, %mul3A_119 : i32
      %add3A_121 = arith.constant 1 : i32
      %add3A_122 = arith.addi %mul3A_120, %add3A_121 : i32
      %dma_wait3A_123 = arith.constant 1 : i32
      %dma_wait3A_124 = arith.constant 0 : i32
      %dma_wait3A_125 = arith.constant 0 : i32
      %dma_wait3A_126 = tpu.memref_slice %arg7[%dma_wait3A_123, %dma_wait3A_124, %dma_wait3A_125] : memref<5x80x128xf32, #tpu.memory_space<vmem>> -> memref<1x80x128xf32, #tpu.memory_space<vmem>>
      %dma_wait3A_127 = tpu.memref_squeeze %dma_wait3A_126 : memref<1x80x128xf32, #tpu.memory_space<vmem>> -> memref<80x128xf32, #tpu.memory_space<vmem>>
      %dma_wait3A_128 = arith.constant 0 : i32
      %dma_wait3A_129 = tpu.memref_slice %arg6[%dma_wait3A_128] : memref<6400xi32, #tpu.memory_space<vmem>> -> memref<80xi32, #tpu.memory_space<vmem>>
      %dma_wait3A_130 = arith.constant 0 : i32
      %dma_wait3A_131 = arith.constant 0 : i32
      %dma_wait3A_132 = tpu.memref_slice %arg3[%dma_wait3A_130, %dma_wait3A_131] : memref<100000x128xf32, #tpu.memory_space<hbm>> -> memref<100000x128xf32, #tpu.memory_space<hbm>>
      tpu.wait_indirect_dma semaphore(%arg9 : memref<!tpu.dma_semaphore, #tpu.memory_space<semaphore_mem>>) src(%dma_wait3A_132 : memref<100000x128xf32, #tpu.memory_space<hbm>>) dst(%dma_wait3A_127 : memref<80x128xf32, #tpu.memory_space<vmem>>)
      %scan3A_133 = arith.constant 0 : i32
      %scan3A_134 = arith.constant 0 : i32
      %scan3A_135 = arith.constant 80 : i32
      %scan3A_136 = arith.addi %scan3A_134, %scan3A_135 : i32
      %scan3A_137 = arith.constant 1 : i32
      scf.for %scan3A_383 = %scan3A_134 to %scan3A_136 step %scan3A_137  : i32 {
        %add3A_384 = arith.constant 80 : i32
        %add3A_385 = arith.addi %scan3A_383, %add3A_384 : i32
        %get3A = arith.constant 1 : i32
        %get3A_386 = arith.index_cast %get3A : i32 to index
        %get3A_387 = arith.index_cast %scan3A_383 : i32 to index
        %get3A_388 = arith.constant 0 : index
        %get3A_389 = tpu.vector_load %arg7[%get3A_386, %get3A_387, %get3A_388] {strides = array<i32>} : memref<5x80x128xf32, #tpu.memory_space<vmem>>, vector<1x1x16xf32>,
        %get3A_390 = vector.shape_cast %get3A_389 : vector<1x1x16xf32> to vector<16xf32>
        %get3A_391 = arith.constant 1 : i32
        %get3A_392 = arith.index_cast %get3A_391 : i32 to index
        %get3A_393 = arith.index_cast %scan3A_383 : i32 to index
        %get3A_394 = arith.constant 64 : index
        %get3A_395 = tpu.vector_load %arg7[%get3A_392, %get3A_393, %get3A_394] {strides = array<i32>} : memref<5x80x128xf32, #tpu.memory_space<vmem>>, vector<1x1x16xf32>,
        %get3A_396 = vector.shape_cast %get3A_395 : vector<1x1x16xf32> to vector<16xf32>
        %get3A_397 = arith.index_cast %add3A_385 : i32 to index
        %get3A_398 = arith.constant 0 : index
        %get3A_399 = tpu.vector_load %arg8[%get3A_397, %get3A_398] {strides = array<i32>} : memref<200x128xi32, #tpu.memory_space<vmem>>, vector<1x16xi32>,
        %get3A_400 = vector.shape_cast %get3A_399 : vector<1x16xi32> to vector<16xi32>
        %shift_left3A = arith.constant 16 : i32
        %shift_left3A_401 = vector.broadcast %shift_left3A : i32 to vector<16xi32>
        %shift_left3A_402 = arith.shli %get3A_400, %shift_left3A_401 : vector<16xi32>
        %bitcast_convert_type3A = tpu.bitcast %shift_left3A_402 : vector<16xi32> -> vector<16xf32>
        %bitcast_convert_type3A_403 = tpu.bitcast %get3A_400 : vector<16xi32> -> vector<16xf32>
        %mul3A_404 = arith.mulf %get3A_390, %bitcast_convert_type3A : vector<16xf32>
        %mul3A_405 = arith.mulf %get3A_396, %bitcast_convert_type3A_403 : vector<16xf32>
        %sub3A_406 = arith.subf %mul3A_404, %mul3A_405 : vector<16xf32>
        %swap3A = arith.constant 1 : i32
        %swap3A_407 = arith.index_cast %swap3A : i32 to index
        %swap3A_408 = arith.index_cast %scan3A_383 : i32 to index
        %swap3A_409 = arith.constant 0 : index
        %swap3A_410 = tpu.vector_load %arg7[%swap3A_407, %swap3A_408, %swap3A_409] {strides = array<i32>} : memref<5x80x128xf32, #tpu.memory_space<vmem>>, vector<1x1x16xf32>,
        %swap3A_411 = vector.shape_cast %swap3A_410 : vector<1x1x16xf32> to vector<16xf32>
        %swap3A_412 = vector.shape_cast %sub3A_406 : vector<16xf32> to vector<1x1x16xf32>
        tpu.vector_store %arg7[%swap3A_407, %swap3A_408, %swap3A_409], %swap3A_412 {strides = array<i32>} : memref<5x80x128xf32, #tpu.memory_space<vmem>>, vector<1x1x16xf32>,
        %mul3A_413 = arith.mulf %get3A_390, %bitcast_convert_type3A_403 : vector<16xf32>
        %mul3A_414 = arith.mulf %get3A_396, %bitcast_convert_type3A : vector<16xf32>
        %add3A_415 = arith.addf %mul3A_413, %mul3A_414 : vector<16xf32>
        %swap3A_416 = arith.constant 1 : i32
        %swap3A_417 = arith.index_cast %swap3A_416 : i32 to index
        %swap3A_418 = arith.index_cast %scan3A_383 : i32 to index
        %swap3A_419 = arith.constant 64 : index
        %swap3A_420 = tpu.vector_load %arg7[%swap3A_417, %swap3A_418, %swap3A_419] {strides = array<i32>} : memref<5x80x128xf32, #tpu.memory_space<vmem>>, vector<1x1x16xf32>,
        %swap3A_421 = vector.shape_cast %swap3A_420 : vector<1x1x16xf32> to vector<16xf32>
        %swap3A_422 = vector.shape_cast %add3A_415 : vector<16xf32> to vector<1x1x16xf32>
        tpu.vector_store %arg7[%swap3A_417, %swap3A_418, %swap3A_419], %swap3A_422 {strides = array<i32>} : memref<5x80x128xf32, #tpu.memory_space<vmem>>, vector<1x1x16xf32>,
        %get3A_423 = arith.constant 1 : i32
        %get3A_424 = arith.index_cast %get3A_423 : i32 to index
        %get3A_425 = arith.index_cast %scan3A_383 : i32 to index
        %get3A_426 = arith.constant 16 : index
        %get3A_427 = tpu.vector_load %arg7[%get3A_424, %get3A_425, %get3A_426] {strides = array<i32>} : memref<5x80x128xf32, #tpu.memory_space<vmem>>, vector<1x1x16xf32>,
        %get3A_428 = vector.shape_cast %get3A_427 : vector<1x1x16xf32> to vector<16xf32>
        %get3A_429 = arith.constant 1 : i32
        %get3A_430 = arith.index_cast %get3A_429 : i32 to index
        %get3A_431 = arith.index_cast %scan3A_383 : i32 to index
        %get3A_432 = arith.constant 80 : index
        %get3A_433 = tpu.vector_load %arg7[%get3A_430, %get3A_431, %get3A_432] {strides = array<i32>} : memref<5x80x128xf32, #tpu.memory_space<vmem>>, vector<1x1x16xf32>,
        %get3A_434 = vector.shape_cast %get3A_433 : vector<1x1x16xf32> to vector<16xf32>
        %get3A_435 = arith.index_cast %add3A_385 : i32 to index
        %get3A_436 = arith.constant 16 : index
        %get3A_437 = tpu.vector_load %arg8[%get3A_435, %get3A_436] {strides = array<i32>} : memref<200x128xi32, #tpu.memory_space<vmem>>, vector<1x16xi32>,
        %get3A_438 = vector.shape_cast %get3A_437 : vector<1x16xi32> to vector<16xi32>
        %shift_left3A_439 = arith.constant 16 : i32
        %shift_left3A_440 = vector.broadcast %shift_left3A_439 : i32 to vector<16xi32>
        %shift_left3A_441 = arith.shli %get3A_438, %shift_left3A_440 : vector<16xi32>
        %bitcast_convert_type3A_442 = tpu.bitcast %shift_left3A_441 : vector<16xi32> -> vector<16xf32>
        %bitcast_convert_type3A_443 = tpu.bitcast %get3A_438 : vector<16xi32> -> vector<16xf32>
        %mul3A_444 = arith.mulf %get3A_428, %bitcast_convert_type3A_442 : vector<16xf32>
        %mul3A_445 = arith.mulf %get3A_434, %bitcast_convert_type3A_443 : vector<16xf32>
        %sub3A_446 = arith.subf %mul3A_444, %mul3A_445 : vector<16xf32>
        %swap3A_447 = arith.constant 1 : i32
        %swap3A_448 = arith.index_cast %swap3A_447 : i32 to index
        %swap3A_449 = arith.index_cast %scan3A_383 : i32 to index
        %swap3A_450 = arith.constant 16 : index
        %swap3A_451 = tpu.vector_load %arg7[%swap3A_448, %swap3A_449, %swap3A_450] {strides = array<i32>} : memref<5x80x128xf32, #tpu.memory_space<vmem>>, vector<1x1x16xf32>,
        %swap3A_452 = vector.shape_cast %swap3A_451 : vector<1x1x16xf32> to vector<16xf32>
        %swap3A_453 = vector.shape_cast %sub3A_446 : vector<16xf32> to vector<1x1x16xf32>
        tpu.vector_store %arg7[%swap3A_448, %swap3A_449, %swap3A_450], %swap3A_453 {strides = array<i32>} : memref<5x80x128xf32, #tpu.memory_space<vmem>>, vector<1x1x16xf32>,
        %mul3A_454 = arith.mulf %get3A_428, %bitcast_convert_type3A_443 : vector<16xf32>
        %mul3A_455 = arith.mulf %get3A_434, %bitcast_convert_type3A_442 : vector<16xf32>
        %add3A_456 = arith.addf %mul3A_454, %mul3A_455 : vector<16xf32>
        %swap3A_457 = arith.constant 1 : i32
        %swap3A_458 = arith.index_cast %swap3A_457 : i32 to index
        %swap3A_459 = arith.index_cast %scan3A_383 : i32 to index
        %swap3A_460 = arith.constant 80 : index
        %swap3A_461 = tpu.vector_load %arg7[%swap3A_458, %swap3A_459, %swap3A_460] {strides = array<i32>} : memref<5x80x128xf32, #tpu.memory_space<vmem>>, vector<1x1x16xf32>,
        %swap3A_462 = vector.shape_cast %swap3A_461 : vector<1x1x16xf32> to vector<16xf32>
        %swap3A_463 = vector.shape_cast %add3A_456 : vector<16xf32> to vector<1x1x16xf32>
        tpu.vector_store %arg7[%swap3A_458, %swap3A_459, %swap3A_460], %swap3A_463 {strides = array<i32>} : memref<5x80x128xf32, #tpu.memory_space<vmem>>, vector<1x1x16xf32>,
        %get3A_464 = arith.constant 1 : i32
        %get3A_465 = arith.index_cast %get3A_464 : i32 to index
        %get3A_466 = arith.index_cast %scan3A_383 : i32 to index
        %get3A_467 = arith.constant 32 : index
        %get3A_468 = tpu.vector_load %arg7[%get3A_465, %get3A_466, %get3A_467] {strides = array<i32>} : memref<5x80x128xf32, #tpu.memory_space<vmem>>, vector<1x1x16xf32>,
        %get3A_469 = vector.shape_cast %get3A_468 : vector<1x1x16xf32> to vector<16xf32>
        %get3A_470 = arith.constant 1 : i32
        %get3A_471 = arith.index_cast %get3A_470 : i32 to index
        %get3A_472 = arith.index_cast %scan3A_383 : i32 to index
        %get3A_473 = arith.constant 96 : index
        %get3A_474 = tpu.vector_load %arg7[%get3A_471, %get3A_472, %get3A_473] {strides = array<i32>} : memref<5x80x128xf32, #tpu.memory_space<vmem>>, vector<1x1x16xf32>,
        %get3A_475 = vector.shape_cast %get3A_474 : vector<1x1x16xf32> to vector<16xf32>
        %get3A_476 = arith.index_cast %add3A_385 : i32 to index
        %get3A_477 = arith.constant 32 : index
        %get3A_478 = tpu.vector_load %arg8[%get3A_476, %get3A_477] {strides = array<i32>} : memref<200x128xi32, #tpu.memory_space<vmem>>, vector<1x16xi32>,
        %get3A_479 = vector.shape_cast %get3A_478 : vector<1x16xi32> to vector<16xi32>
        %shift_left3A_480 = arith.constant 16 : i32
        %shift_left3A_481 = vector.broadcast %shift_left3A_480 : i32 to vector<16xi32>
        %shift_left3A_482 = arith.shli %get3A_479, %shift_left3A_481 : vector<16xi32>
        %bitcast_convert_type3A_483 = tpu.bitcast %shift_left3A_482 : vector<16xi32> -> vector<16xf32>
        %bitcast_convert_type3A_484 = tpu.bitcast %get3A_479 : vector<16xi32> -> vector<16xf32>
        %mul3A_485 = arith.mulf %get3A_469, %bitcast_convert_type3A_483 : vector<16xf32>
        %mul3A_486 = arith.mulf %get3A_475, %bitcast_convert_type3A_484 : vector<16xf32>
        %sub3A_487 = arith.subf %mul3A_485, %mul3A_486 : vector<16xf32>
        %swap3A_488 = arith.constant 1 : i32
        %swap3A_489 = arith.index_cast %swap3A_488 : i32 to index
        %swap3A_490 = arith.index_cast %scan3A_383 : i32 to index
        %swap3A_491 = arith.constant 32 : index
        %swap3A_492 = tpu.vector_load %arg7[%swap3A_489, %swap3A_490, %swap3A_491] {strides = array<i32>} : memref<5x80x128xf32, #tpu.memory_space<vmem>>, vector<1x1x16xf32>,
        %swap3A_493 = vector.shape_cast %swap3A_492 : vector<1x1x16xf32> to vector<16xf32>
        %swap3A_494 = vector.shape_cast %sub3A_487 : vector<16xf32> to vector<1x1x16xf32>
        tpu.vector_store %arg7[%swap3A_489, %swap3A_490, %swap3A_491], %swap3A_494 {strides = array<i32>} : memref<5x80x128xf32, #tpu.memory_space<vmem>>, vector<1x1x16xf32>,
        %mul3A_495 = arith.mulf %get3A_469, %bitcast_convert_type3A_484 : vector<16xf32>
        %mul3A_496 = arith.mulf %get3A_475, %bitcast_convert_type3A_483 : vector<16xf32>
        %add3A_497 = arith.addf %mul3A_495, %mul3A_496 : vector<16xf32>
        %swap3A_498 = arith.constant 1 : i32
        %swap3A_499 = arith.index_cast %swap3A_498 : i32 to index
        %swap3A_500 = arith.index_cast %scan3A_383 : i32 to index
        %swap3A_501 = arith.constant 96 : index
        %swap3A_502 = tpu.vector_load %arg7[%swap3A_499, %swap3A_500, %swap3A_501] {strides = array<i32>} : memref<5x80x128xf32, #tpu.memory_space<vmem>>, vector<1x1x16xf32>,
        %swap3A_503 = vector.shape_cast %swap3A_502 : vector<1x1x16xf32> to vector<16xf32>
        %swap3A_504 = vector.shape_cast %add3A_497 : vector<16xf32> to vector<1x1x16xf32>
        tpu.vector_store %arg7[%swap3A_499, %swap3A_500, %swap3A_501], %swap3A_504 {strides = array<i32>} : memref<5x80x128xf32, #tpu.memory_space<vmem>>, vector<1x1x16xf32>,
        %get3A_505 = arith.constant 1 : i32
        %get3A_506 = arith.index_cast %get3A_505 : i32 to index
        %get3A_507 = arith.index_cast %scan3A_383 : i32 to index
        %get3A_508 = arith.constant 48 : index
        %get3A_509 = tpu.vector_load %arg7[%get3A_506, %get3A_507, %get3A_508] {strides = array<i32>} : memref<5x80x128xf32, #tpu.memory_space<vmem>>, vector<1x1x16xf32>,
        %get3A_510 = vector.shape_cast %get3A_509 : vector<1x1x16xf32> to vector<16xf32>
        %get3A_511 = arith.constant 1 : i32
        %get3A_512 = arith.index_cast %get3A_511 : i32 to index
        %get3A_513 = arith.index_cast %scan3A_383 : i32 to index
        %get3A_514 = arith.constant 112 : index
        %get3A_515 = tpu.vector_load %arg7[%get3A_512, %get3A_513, %get3A_514] {strides = array<i32>} : memref<5x80x128xf32, #tpu.memory_space<vmem>>, vector<1x1x16xf32>,
        %get3A_516 = vector.shape_cast %get3A_515 : vector<1x1x16xf32> to vector<16xf32>
        %get3A_517 = arith.index_cast %add3A_385 : i32 to index
        %get3A_518 = arith.constant 48 : index
        %get3A_519 = tpu.vector_load %arg8[%get3A_517, %get3A_518] {strides = array<i32>} : memref<200x128xi32, #tpu.memory_space<vmem>>, vector<1x16xi32>,
        %get3A_520 = vector.shape_cast %get3A_519 : vector<1x16xi32> to vector<16xi32>
        %shift_left3A_521 = arith.constant 16 : i32
        %shift_left3A_522 = vector.broadcast %shift_left3A_521 : i32 to vector<16xi32>
        %shift_left3A_523 = arith.shli %get3A_520, %shift_left3A_522 : vector<16xi32>
        %bitcast_convert_type3A_524 = tpu.bitcast %shift_left3A_523 : vector<16xi32> -> vector<16xf32>
        %bitcast_convert_type3A_525 = tpu.bitcast %get3A_520 : vector<16xi32> -> vector<16xf32>
        %mul3A_526 = arith.mulf %get3A_510, %bitcast_convert_type3A_524 : vector<16xf32>
        %mul3A_527 = arith.mulf %get3A_516, %bitcast_convert_type3A_525 : vector<16xf32>
        %sub3A_528 = arith.subf %mul3A_526, %mul3A_527 : vector<16xf32>
        %swap3A_529 = arith.constant 1 : i32
        %swap3A_530 = arith.index_cast %swap3A_529 : i32 to index
        %swap3A_531 = arith.index_cast %scan3A_383 : i32 to index
        %swap3A_532 = arith.constant 48 : index
        %swap3A_533 = tpu.vector_load %arg7[%swap3A_530, %swap3A_531, %swap3A_532] {strides = array<i32>} : memref<5x80x128xf32, #tpu.memory_space<vmem>>, vector<1x1x16xf32>,
        %swap3A_534 = vector.shape_cast %swap3A_533 : vector<1x1x16xf32> to vector<16xf32>
        %swap3A_535 = vector.shape_cast %sub3A_528 : vector<16xf32> to vector<1x1x16xf32>
        tpu.vector_store %arg7[%swap3A_530, %swap3A_531, %swap3A_532], %swap3A_535 {strides = array<i32>} : memref<5x80x128xf32, #tpu.memory_space<vmem>>, vector<1x1x16xf32>,
        %mul3A_536 = arith.mulf %get3A_510, %bitcast_convert_type3A_525 : vector<16xf32>
        %mul3A_537 = arith.mulf %get3A_516, %bitcast_convert_type3A_524 : vector<16xf32>
        %add3A_538 = arith.addf %mul3A_536, %mul3A_537 : vector<16xf32>
        %swap3A_539 = arith.constant 1 : i32
        %swap3A_540 = arith.index_cast %swap3A_539 : i32 to index
        %swap3A_541 = arith.index_cast %scan3A_383 : i32 to index
        %swap3A_542 = arith.constant 112 : index
        %swap3A_543 = tpu.vector_load %arg7[%swap3A_540, %swap3A_541, %swap3A_542] {strides = array<i32>} : memref<5x80x128xf32, #tpu.memory_space<vmem>>, vector<1x1x16xf32>,
        %swap3A_544 = vector.shape_cast %swap3A_543 : vector<1x1x16xf32> to vector<16xf32>
        %swap3A_545 = vector.shape_cast %add3A_538 : vector<16xf32> to vector<1x1x16xf32>
        tpu.vector_store %arg7[%swap3A_540, %swap3A_541, %swap3A_542], %swap3A_545 {strides = array<i32>} : memref<5x80x128xf32, #tpu.memory_space<vmem>>, vector<1x1x16xf32>,
      }
      %scan3A_138 = arith.constant 80 : i32
      %add3A_139 = arith.addi %mul3A_2, %add3A_122 : i32
      %dma_start3A_140 = arith.constant 1 : i32
      %dma_start3A_141 = arith.constant 0 : i32
      %dma_start3A_142 = arith.constant 0 : i32
      %dma_start3A_143 = tpu.memref_slice %arg7[%dma_start3A_140, %dma_start3A_141, %dma_start3A_142] : memref<5x80x128xf32, #tpu.memory_space<vmem>> -> memref<1x80x128xf32, #tpu.memory_space<vmem>>
      %dma_start3A_144 = tpu.memref_squeeze %dma_start3A_143 : memref<1x80x128xf32, #tpu.memory_space<vmem>> -> memref<80x128xf32, #tpu.memory_space<vmem>>
      %dma_start3A_145 = arith.constant 0 : i32
      %dma_start3A_146 = arith.constant 0 : i32
      %dma_start3A_147 = tpu.memref_slice %arg5[%add3A_139, %dma_start3A_145, %dma_start3A_146] : memref<2560x80x128xf32, #tpu.memory_space<hbm>> -> memref<1x80x128xf32, #tpu.memory_space<hbm>>
      %dma_start3A_148 = tpu.memref_squeeze %dma_start3A_147 : memref<1x80x128xf32, #tpu.memory_space<hbm>> -> memref<80x128xf32, #tpu.memory_space<hbm>>
      %dma_start3A_149 = arith.constant 0 : i32
      %dma_start3A_150 = arith.constant 0 : i32
      %dma_start3A_151 = tpu.memref_slice %arg5[%add3A_139, %dma_start3A_149, %dma_start3A_150] : memref<2560x80x128xf32, #tpu.memory_space<hbm>> -> memref<1x80x128xf32, #tpu.memory_space<hbm>>
      %dma_start3A_152 = tpu.memref_squeeze %dma_start3A_151 : memref<1x80x128xf32, #tpu.memory_space<hbm>> -> memref<80x128xf32, #tpu.memory_space<hbm>>
      %dma_start3A_153 = arith.constant 0 : i32
      %dma_start3A_154 = arith.constant 0 : i32
      %dma_start3A_155 = tpu.memref_slice %arg7[%dma_start3A_140, %dma_start3A_153, %dma_start3A_154] : memref<5x80x128xf32, #tpu.memory_space<vmem>> -> memref<1x80x128xf32, #tpu.memory_space<vmem>>
      %dma_start3A_156 = tpu.memref_squeeze %dma_start3A_155 : memref<1x80x128xf32, #tpu.memory_space<vmem>> -> memref<80x128xf32, #tpu.memory_space<vmem>>
      tpu.enqueue_dma source(%dma_start3A_156 : memref<80x128xf32, #tpu.memory_space<vmem>>) target(%dma_start3A_152 : memref<80x128xf32, #tpu.memory_space<hbm>>) target_semaphore(%arg10 : memref<!tpu.dma_semaphore, #tpu.memory_space<semaphore_mem>>)
      %sub3A = arith.constant 1 : i32
      %sub3A_157 = arith.subi %add3A_122, %sub3A : i32
      %add3A_158 = arith.addi %mul3A_2, %sub3A_157 : i32
      %dma_wait3A_159 = arith.constant 0 : i32
      %dma_wait3A_160 = arith.constant 0 : i32
      %dma_wait3A_161 = arith.constant 0 : i32
      %dma_wait3A_162 = tpu.memref_slice %arg7[%dma_wait3A_159, %dma_wait3A_160, %dma_wait3A_161] : memref<5x80x128xf32, #tpu.memory_space<vmem>> -> memref<1x80x128xf32, #tpu.memory_space<vmem>>
      %dma_wait3A_163 = tpu.memref_squeeze %dma_wait3A_162 : memref<1x80x128xf32, #tpu.memory_space<vmem>> -> memref<80x128xf32, #tpu.memory_space<vmem>>
      %dma_wait3A_164 = arith.constant 0 : i32
      %dma_wait3A_165 = arith.constant 0 : i32
      %dma_wait3A_166 = tpu.memref_slice %arg5[%add3A_158, %dma_wait3A_164, %dma_wait3A_165] : memref<2560x80x128xf32, #tpu.memory_space<hbm>> -> memref<1x80x128xf32, #tpu.memory_space<hbm>>
      %dma_wait3A_167 = tpu.memref_squeeze %dma_wait3A_166 : memref<1x80x128xf32, #tpu.memory_space<hbm>> -> memref<80x128xf32, #tpu.memory_space<hbm>>
      %dma_wait3A_168 = arith.constant 0 : i32
      %dma_wait3A_169 = arith.constant 0 : i32
      %dma_wait3A_170 = tpu.memref_slice %arg5[%add3A_158, %dma_wait3A_168, %dma_wait3A_169] : memref<2560x80x128xf32, #tpu.memory_space<hbm>> -> memref<1x80x128xf32, #tpu.memory_space<hbm>>
      %dma_wait3A_171 = tpu.memref_squeeze %dma_wait3A_170 : memref<1x80x128xf32, #tpu.memory_space<hbm>> -> memref<80x128xf32, #tpu.memory_space<hbm>>
      %dma_wait3A_172 = arith.constant 0 : i32
      %dma_wait3A_173 = arith.constant 0 : i32
      %dma_wait3A_174 = tpu.memref_slice %arg7[%dma_wait3A_159, %dma_wait3A_172, %dma_wait3A_173] : memref<5x80x128xf32, #tpu.memory_space<vmem>> -> memref<1x80x128xf32, #tpu.memory_space<vmem>>
      %dma_wait3A_175 = tpu.memref_squeeze %dma_wait3A_174 : memref<1x80x128xf32, #tpu.memory_space<vmem>> -> memref<80x128xf32, #tpu.memory_space<vmem>>
      tpu.wait_dma2 semaphore(%arg10 : memref<!tpu.dma_semaphore, #tpu.memory_space<semaphore_mem>>) src(%dma_wait3A_175 : memref<80x128xf32, #tpu.memory_space<vmem>>) dst(%dma_wait3A_171 : memref<80x128xf32, #tpu.memory_space<hbm>>)
      %add3A_176 = arith.constant 4 : i32
      %add3A_177 = arith.addi %add3A_122, %add3A_176 : i32
      %lt3A = arith.constant 80 : i32
      %lt3A_178 = arith.cmpi slt, %add3A_177, %lt3A : i32
      %convert_element_type3A_179 = arith.extui %lt3A_178 : i1 to i32
      %cond3A_180 = arith.constant 0 : i32
      %cond3A_181 = arith.cmpi ne, %convert_element_type3A_179, %cond3A_180 : i32
      scf.if %cond3A_181 {
        %add3A_383 = arith.constant 4 : i32
        %add3A_384 = arith.addi %add3A_122, %add3A_383 : i32
        %mul3A_385 = arith.constant 80 : i32
        %mul3A_386 = arith.muli %add3A_384, %mul3A_385 : i32
        %dma_start3A_387 = arith.constant 0 : i32
        %dma_start3A_388 = arith.constant 0 : i32
        %dma_start3A_389 = arith.constant 0 : i32
        %dma_start3A_390 = tpu.memref_slice %arg7[%dma_start3A_387, %dma_start3A_388, %dma_start3A_389] : memref<5x80x128xf32, #tpu.memory_space<vmem>> -> memref<1x80x128xf32, #tpu.memory_space<vmem>>
        %dma_start3A_391 = tpu.memref_squeeze %dma_start3A_390 : memref<1x80x128xf32, #tpu.memory_space<vmem>> -> memref<80x128xf32, #tpu.memory_space<vmem>>
        %dma_start3A_392 = tpu.memref_slice %arg6[%mul3A_386] : memref<6400xi32, #tpu.memory_space<vmem>> -> memref<80xi32, #tpu.memory_space<vmem>>
        %dma_start3A_393 = arith.constant 0 : i32
        %dma_start3A_394 = arith.constant 0 : i32
        %dma_start3A_395 = tpu.memref_slice %arg3[%dma_start3A_393, %dma_start3A_394] : memref<100000x128xf32, #tpu.memory_space<hbm>> -> memref<100000x128xf32, #tpu.memory_space<hbm>>
        tpu.enqueue_indirect_dma source(%dma_start3A_395 : memref<100000x128xf32, #tpu.memory_space<hbm>>) target(%dma_start3A_391 : memref<80x128xf32, #tpu.memory_space<vmem>>) offsets(%dma_start3A_392 : memref<80xi32, #tpu.memory_space<vmem>>) semaphore(%arg9 : memref<!tpu.dma_semaphore, #tpu.memory_space<semaphore_mem>>)
      } else {
      }
      %mul3A_182 = arith.constant 5 : i32
      %mul3A_183 = arith.muli %scan3A_65, %mul3A_182 : i32
      %add3A_184 = arith.constant 2 : i32
      %add3A_185 = arith.addi %mul3A_183, %add3A_184 : i32
      %dma_wait3A_186 = arith.constant 2 : i32
      %dma_wait3A_187 = arith.constant 0 : i32
      %dma_wait3A_188 = arith.constant 0 : i32
      %dma_wait3A_189 = tpu.memref_slice %arg7[%dma_wait3A_186, %dma_wait3A_187, %dma_wait3A_188] : memref<5x80x128xf32, #tpu.memory_space<vmem>> -> memref<1x80x128xf32, #tpu.memory_space<vmem>>
      %dma_wait3A_190 = tpu.memref_squeeze %dma_wait3A_189 : memref<1x80x128xf32, #tpu.memory_space<vmem>> -> memref<80x128xf32, #tpu.memory_space<vmem>>
      %dma_wait3A_191 = arith.constant 0 : i32
      %dma_wait3A_192 = tpu.memref_slice %arg6[%dma_wait3A_191] : memref<6400xi32, #tpu.memory_space<vmem>> -> memref<80xi32, #tpu.memory_space<vmem>>
      %dma_wait3A_193 = arith.constant 0 : i32
      %dma_wait3A_194 = arith.constant 0 : i32
      %dma_wait3A_195 = tpu.memref_slice %arg3[%dma_wait3A_193, %dma_wait3A_194] : memref<100000x128xf32, #tpu.memory_space<hbm>> -> memref<100000x128xf32, #tpu.memory_space<hbm>>
      tpu.wait_indirect_dma semaphore(%arg9 : memref<!tpu.dma_semaphore, #tpu.memory_space<semaphore_mem>>) src(%dma_wait3A_195 : memref<100000x128xf32, #tpu.memory_space<hbm>>) dst(%dma_wait3A_190 : memref<80x128xf32, #tpu.memory_space<vmem>>)
      %scan3A_196 = arith.constant 0 : i32
      %scan3A_197 = arith.constant 0 : i32
      %scan3A_198 = arith.constant 40 : i32
      %scan3A_199 = arith.addi %scan3A_197, %scan3A_198 : i32
      %scan3A_200 = arith.constant 1 : i32
      scf.for %scan3A_383 = %scan3A_197 to %scan3A_199 step %scan3A_200  : i32 {
        %add3A_384 = arith.constant 160 : i32
        %add3A_385 = arith.addi %scan3A_383, %add3A_384 : i32
        %get3A = arith.constant 2 : i32
        %get3A_386 = arith.index_cast %get3A : i32 to index
        %get3A_387 = arith.index_cast %scan3A_383 : i32 to index
        %get3A_388 = arith.constant 0 : index
        %get3A_389 = tpu.vector_load %arg7[%get3A_386, %get3A_387, %get3A_388] {strides = array<i32>} : memref<5x80x128xf32, #tpu.memory_space<vmem>>, vector<1x1x16xf32>,
        %get3A_390 = vector.shape_cast %get3A_389 : vector<1x1x16xf32> to vector<16xf32>
        %get3A_391 = arith.constant 2 : i32
        %get3A_392 = arith.index_cast %get3A_391 : i32 to index
        %get3A_393 = arith.index_cast %scan3A_383 : i32 to index
        %get3A_394 = arith.constant 64 : index
        %get3A_395 = tpu.vector_load %arg7[%get3A_392, %get3A_393, %get3A_394] {strides = array<i32>} : memref<5x80x128xf32, #tpu.memory_space<vmem>>, vector<1x1x16xf32>,
        %get3A_396 = vector.shape_cast %get3A_395 : vector<1x1x16xf32> to vector<16xf32>
        %get3A_397 = arith.index_cast %add3A_385 : i32 to index
        %get3A_398 = arith.constant 0 : index
        %get3A_399 = tpu.vector_load %arg8[%get3A_397, %get3A_398] {strides = array<i32>} : memref<200x128xi32, #tpu.memory_space<vmem>>, vector<1x16xi32>,
        %get3A_400 = vector.shape_cast %get3A_399 : vector<1x16xi32> to vector<16xi32>
        %shift_left3A = arith.constant 16 : i32
        %shift_left3A_401 = vector.broadcast %shift_left3A : i32 to vector<16xi32>
        %shift_left3A_402 = arith.shli %get3A_400, %shift_left3A_401 : vector<16xi32>
        %bitcast_convert_type3A = tpu.bitcast %shift_left3A_402 : vector<16xi32> -> vector<16xf32>
        %bitcast_convert_type3A_403 = tpu.bitcast %get3A_400 : vector<16xi32> -> vector<16xf32>
        %mul3A_404 = arith.mulf %get3A_390, %bitcast_convert_type3A : vector<16xf32>
        %mul3A_405 = arith.mulf %get3A_396, %bitcast_convert_type3A_403 : vector<16xf32>
        %sub3A_406 = arith.subf %mul3A_404, %mul3A_405 : vector<16xf32>
        %swap3A = arith.constant 2 : i32
        %swap3A_407 = arith.index_cast %swap3A : i32 to index
        %swap3A_408 = arith.index_cast %scan3A_383 : i32 to index
        %swap3A_409 = arith.constant 0 : index
        %swap3A_410 = tpu.vector_load %arg7[%swap3A_407, %swap3A_408, %swap3A_409] {strides = array<i32>} : memref<5x80x128xf32, #tpu.memory_space<vmem>>, vector<1x1x16xf32>,
        %swap3A_411 = vector.shape_cast %swap3A_410 : vector<1x1x16xf32> to vector<16xf32>
        %swap3A_412 = vector.shape_cast %sub3A_406 : vector<16xf32> to vector<1x1x16xf32>
        tpu.vector_store %arg7[%swap3A_407, %swap3A_408, %swap3A_409], %swap3A_412 {strides = array<i32>} : memref<5x80x128xf32, #tpu.memory_space<vmem>>, vector<1x1x16xf32>,
        %mul3A_413 = arith.mulf %get3A_390, %bitcast_convert_type3A_403 : vector<16xf32>
        %mul3A_414 = arith.mulf %get3A_396, %bitcast_convert_type3A : vector<16xf32>
        %add3A_415 = arith.addf %mul3A_413, %mul3A_414 : vector<16xf32>
        %swap3A_416 = arith.constant 2 : i32
        %swap3A_417 = arith.index_cast %swap3A_416 : i32 to index
        %swap3A_418 = arith.index_cast %scan3A_383 : i32 to index
        %swap3A_419 = arith.constant 64 : index
        %swap3A_420 = tpu.vector_load %arg7[%swap3A_417, %swap3A_418, %swap3A_419] {strides = array<i32>} : memref<5x80x128xf32, #tpu.memory_space<vmem>>, vector<1x1x16xf32>,
        %swap3A_421 = vector.shape_cast %swap3A_420 : vector<1x1x16xf32> to vector<16xf32>
        %swap3A_422 = vector.shape_cast %add3A_415 : vector<16xf32> to vector<1x1x16xf32>
        tpu.vector_store %arg7[%swap3A_417, %swap3A_418, %swap3A_419], %swap3A_422 {strides = array<i32>} : memref<5x80x128xf32, #tpu.memory_space<vmem>>, vector<1x1x16xf32>,
        %get3A_423 = arith.constant 2 : i32
        %get3A_424 = arith.index_cast %get3A_423 : i32 to index
        %get3A_425 = arith.index_cast %scan3A_383 : i32 to index
        %get3A_426 = arith.constant 16 : index
        %get3A_427 = tpu.vector_load %arg7[%get3A_424, %get3A_425, %get3A_426] {strides = array<i32>} : memref<5x80x128xf32, #tpu.memory_space<vmem>>, vector<1x1x16xf32>,
        %get3A_428 = vector.shape_cast %get3A_427 : vector<1x1x16xf32> to vector<16xf32>
        %get3A_429 = arith.constant 2 : i32
        %get3A_430 = arith.index_cast %get3A_429 : i32 to index
        %get3A_431 = arith.index_cast %scan3A_383 : i32 to index
        %get3A_432 = arith.constant 80 : index
        %get3A_433 = tpu.vector_load %arg7[%get3A_430, %get3A_431, %get3A_432] {strides = array<i32>} : memref<5x80x128xf32, #tpu.memory_space<vmem>>, vector<1x1x16xf32>,
        %get3A_434 = vector.shape_cast %get3A_433 : vector<1x1x16xf32> to vector<16xf32>
        %get3A_435 = arith.index_cast %add3A_385 : i32 to index
        %get3A_436 = arith.constant 16 : index
        %get3A_437 = tpu.vector_load %arg8[%get3A_435, %get3A_436] {strides = array<i32>} : memref<200x128xi32, #tpu.memory_space<vmem>>, vector<1x16xi32>,
        %get3A_438 = vector.shape_cast %get3A_437 : vector<1x16xi32> to vector<16xi32>
        %shift_left3A_439 = arith.constant 16 : i32
        %shift_left3A_440 = vector.broadcast %shift_left3A_439 : i32 to vector<16xi32>
        %shift_left3A_441 = arith.shli %get3A_438, %shift_left3A_440 : vector<16xi32>
        %bitcast_convert_type3A_442 = tpu.bitcast %shift_left3A_441 : vector<16xi32> -> vector<16xf32>
        %bitcast_convert_type3A_443 = tpu.bitcast %get3A_438 : vector<16xi32> -> vector<16xf32>
        %mul3A_444 = arith.mulf %get3A_428, %bitcast_convert_type3A_442 : vector<16xf32>
        %mul3A_445 = arith.mulf %get3A_434, %bitcast_convert_type3A_443 : vector<16xf32>
        %sub3A_446 = arith.subf %mul3A_444, %mul3A_445 : vector<16xf32>
        %swap3A_447 = arith.constant 2 : i32
        %swap3A_448 = arith.index_cast %swap3A_447 : i32 to index
        %swap3A_449 = arith.index_cast %scan3A_383 : i32 to index
        %swap3A_450 = arith.constant 16 : index
        %swap3A_451 = tpu.vector_load %arg7[%swap3A_448, %swap3A_449, %swap3A_450] {strides = array<i32>} : memref<5x80x128xf32, #tpu.memory_space<vmem>>, vector<1x1x16xf32>,
        %swap3A_452 = vector.shape_cast %swap3A_451 : vector<1x1x16xf32> to vector<16xf32>
        %swap3A_453 = vector.shape_cast %sub3A_446 : vector<16xf32> to vector<1x1x16xf32>
        tpu.vector_store %arg7[%swap3A_448, %swap3A_449, %swap3A_450], %swap3A_453 {strides = array<i32>} : memref<5x80x128xf32, #tpu.memory_space<vmem>>, vector<1x1x16xf32>,
        %mul3A_454 = arith.mulf %get3A_428, %bitcast_convert_type3A_443 : vector<16xf32>
        %mul3A_455 = arith.mulf %get3A_434, %bitcast_convert_type3A_442 : vector<16xf32>
        %add3A_456 = arith.addf %mul3A_454, %mul3A_455 : vector<16xf32>
        %swap3A_457 = arith.constant 2 : i32
        %swap3A_458 = arith.index_cast %swap3A_457 : i32 to index
        %swap3A_459 = arith.index_cast %scan3A_383 : i32 to index
        %swap3A_460 = arith.constant 80 : index
        %swap3A_461 = tpu.vector_load %arg7[%swap3A_458, %swap3A_459, %swap3A_460] {strides = array<i32>} : memref<5x80x128xf32, #tpu.memory_space<vmem>>, vector<1x1x16xf32>,
        %swap3A_462 = vector.shape_cast %swap3A_461 : vector<1x1x16xf32> to vector<16xf32>
        %swap3A_463 = vector.shape_cast %add3A_456 : vector<16xf32> to vector<1x1x16xf32>
        tpu.vector_store %arg7[%swap3A_458, %swap3A_459, %swap3A_460], %swap3A_463 {strides = array<i32>} : memref<5x80x128xf32, #tpu.memory_space<vmem>>, vector<1x1x16xf32>,
        %get3A_464 = arith.constant 2 : i32
        %get3A_465 = arith.index_cast %get3A_464 : i32 to index
        %get3A_466 = arith.index_cast %scan3A_383 : i32 to index
        %get3A_467 = arith.constant 32 : index
        %get3A_468 = tpu.vector_load %arg7[%get3A_465, %get3A_466, %get3A_467] {strides = array<i32>} : memref<5x80x128xf32, #tpu.memory_space<vmem>>, vector<1x1x16xf32>,
        %get3A_469 = vector.shape_cast %get3A_468 : vector<1x1x16xf32> to vector<16xf32>
        %get3A_470 = arith.constant 2 : i32
        %get3A_471 = arith.index_cast %get3A_470 : i32 to index
        %get3A_472 = arith.index_cast %scan3A_383 : i32 to index
        %get3A_473 = arith.constant 96 : index
        %get3A_474 = tpu.vector_load %arg7[%get3A_471, %get3A_472, %get3A_473] {strides = array<i32>} : memref<5x80x128xf32, #tpu.memory_space<vmem>>, vector<1x1x16xf32>,
        %get3A_475 = vector.shape_cast %get3A_474 : vector<1x1x16xf32> to vector<16xf32>
        %get3A_476 = arith.index_cast %add3A_385 : i32 to index
        %get3A_477 = arith.constant 32 : index
        %get3A_478 = tpu.vector_load %arg8[%get3A_476, %get3A_477] {strides = array<i32>} : memref<200x128xi32, #tpu.memory_space<vmem>>, vector<1x16xi32>,
        %get3A_479 = vector.shape_cast %get3A_478 : vector<1x16xi32> to vector<16xi32>
        %shift_left3A_480 = arith.constant 16 : i32
        %shift_left3A_481 = vector.broadcast %shift_left3A_480 : i32 to vector<16xi32>
        %shift_left3A_482 = arith.shli %get3A_479, %shift_left3A_481 : vector<16xi32>
        %bitcast_convert_type3A_483 = tpu.bitcast %shift_left3A_482 : vector<16xi32> -> vector<16xf32>
        %bitcast_convert_type3A_484 = tpu.bitcast %get3A_479 : vector<16xi32> -> vector<16xf32>
        %mul3A_485 = arith.mulf %get3A_469, %bitcast_convert_type3A_483 : vector<16xf32>
        %mul3A_486 = arith.mulf %get3A_475, %bitcast_convert_type3A_484 : vector<16xf32>
        %sub3A_487 = arith.subf %mul3A_485, %mul3A_486 : vector<16xf32>
        %swap3A_488 = arith.constant 2 : i32
        %swap3A_489 = arith.index_cast %swap3A_488 : i32 to index
        %swap3A_490 = arith.index_cast %scan3A_383 : i32 to index
        %swap3A_491 = arith.constant 32 : index
        %swap3A_492 = tpu.vector_load %arg7[%swap3A_489, %swap3A_490, %swap3A_491] {strides = array<i32>} : memref<5x80x128xf32, #tpu.memory_space<vmem>>, vector<1x1x16xf32>,
        %swap3A_493 = vector.shape_cast %swap3A_492 : vector<1x1x16xf32> to vector<16xf32>
        %swap3A_494 = vector.shape_cast %sub3A_487 : vector<16xf32> to vector<1x1x16xf32>
        tpu.vector_store %arg7[%swap3A_489, %swap3A_490, %swap3A_491], %swap3A_494 {strides = array<i32>} : memref<5x80x128xf32, #tpu.memory_space<vmem>>, vector<1x1x16xf32>,
        %mul3A_495 = arith.mulf %get3A_469, %bitcast_convert_type3A_484 : vector<16xf32>
        %mul3A_496 = arith.mulf %get3A_475, %bitcast_convert_type3A_483 : vector<16xf32>
        %add3A_497 = arith.addf %mul3A_495, %mul3A_496 : vector<16xf32>
        %swap3A_498 = arith.constant 2 : i32
        %swap3A_499 = arith.index_cast %swap3A_498 : i32 to index
        %swap3A_500 = arith.index_cast %scan3A_383 : i32 to index
        %swap3A_501 = arith.constant 96 : index
        %swap3A_502 = tpu.vector_load %arg7[%swap3A_499, %swap3A_500, %swap3A_501] {strides = array<i32>} : memref<5x80x128xf32, #tpu.memory_space<vmem>>, vector<1x1x16xf32>,
        %swap3A_503 = vector.shape_cast %swap3A_502 : vector<1x1x16xf32> to vector<16xf32>
        %swap3A_504 = vector.shape_cast %add3A_497 : vector<16xf32> to vector<1x1x16xf32>
        tpu.vector_store %arg7[%swap3A_499, %swap3A_500, %swap3A_501], %swap3A_504 {strides = array<i32>} : memref<5x80x128xf32, #tpu.memory_space<vmem>>, vector<1x1x16xf32>,
        %get3A_505 = arith.constant 2 : i32
        %get3A_506 = arith.index_cast %get3A_505 : i32 to index
        %get3A_507 = arith.index_cast %scan3A_383 : i32 to index
        %get3A_508 = arith.constant 48 : index
        %get3A_509 = tpu.vector_load %arg7[%get3A_506, %get3A_507, %get3A_508] {strides = array<i32>} : memref<5x80x128xf32, #tpu.memory_space<vmem>>, vector<1x1x16xf32>,
        %get3A_510 = vector.shape_cast %get3A_509 : vector<1x1x16xf32> to vector<16xf32>
        %get3A_511 = arith.constant 2 : i32
        %get3A_512 = arith.index_cast %get3A_511 : i32 to index
        %get3A_513 = arith.index_cast %scan3A_383 : i32 to index
        %get3A_514 = arith.constant 112 : index
        %get3A_515 = tpu.vector_load %arg7[%get3A_512, %get3A_513, %get3A_514] {strides = array<i32>} : memref<5x80x128xf32, #tpu.memory_space<vmem>>, vector<1x1x16xf32>,
        %get3A_516 = vector.shape_cast %get3A_515 : vector<1x1x16xf32> to vector<16xf32>
        %get3A_517 = arith.index_cast %add3A_385 : i32 to index
        %get3A_518 = arith.constant 48 : index
        %get3A_519 = tpu.vector_load %arg8[%get3A_517, %get3A_518] {strides = array<i32>} : memref<200x128xi32, #tpu.memory_space<vmem>>, vector<1x16xi32>,
        %get3A_520 = vector.shape_cast %get3A_519 : vector<1x16xi32> to vector<16xi32>
        %shift_left3A_521 = arith.constant 16 : i32
        %shift_left3A_522 = vector.broadcast %shift_left3A_521 : i32 to vector<16xi32>
        %shift_left3A_523 = arith.shli %get3A_520, %shift_left3A_522 : vector<16xi32>
        %bitcast_convert_type3A_524 = tpu.bitcast %shift_left3A_523 : vector<16xi32> -> vector<16xf32>
        %bitcast_convert_type3A_525 = tpu.bitcast %get3A_520 : vector<16xi32> -> vector<16xf32>
        %mul3A_526 = arith.mulf %get3A_510, %bitcast_convert_type3A_524 : vector<16xf32>
        %mul3A_527 = arith.mulf %get3A_516, %bitcast_convert_type3A_525 : vector<16xf32>
        %sub3A_528 = arith.subf %mul3A_526, %mul3A_527 : vector<16xf32>
        %swap3A_529 = arith.constant 2 : i32
        %swap3A_530 = arith.index_cast %swap3A_529 : i32 to index
        %swap3A_531 = arith.index_cast %scan3A_383 : i32 to index
        %swap3A_532 = arith.constant 48 : index
        %swap3A_533 = tpu.vector_load %arg7[%swap3A_530, %swap3A_531, %swap3A_532] {strides = array<i32>} : memref<5x80x128xf32, #tpu.memory_space<vmem>>, vector<1x1x16xf32>,
        %swap3A_534 = vector.shape_cast %swap3A_533 : vector<1x1x16xf32> to vector<16xf32>
        %swap3A_535 = vector.shape_cast %sub3A_528 : vector<16xf32> to vector<1x1x16xf32>
        tpu.vector_store %arg7[%swap3A_530, %swap3A_531, %swap3A_532], %swap3A_535 {strides = array<i32>} : memref<5x80x128xf32, #tpu.memory_space<vmem>>, vector<1x1x16xf32>,
        %mul3A_536 = arith.mulf %get3A_510, %bitcast_convert_type3A_525 : vector<16xf32>
        %mul3A_537 = arith.mulf %get3A_516, %bitcast_convert_type3A_524 : vector<16xf32>
        %add3A_538 = arith.addf %mul3A_536, %mul3A_537 : vector<16xf32>
        %swap3A_539 = arith.constant 2 : i32
        %swap3A_540 = arith.index_cast %swap3A_539 : i32 to index
        %swap3A_541 = arith.index_cast %scan3A_383 : i32 to index
        %swap3A_542 = arith.constant 112 : index
        %swap3A_543 = tpu.vector_load %arg7[%swap3A_540, %swap3A_541, %swap3A_542] {strides = array<i32>} : memref<5x80x128xf32, #tpu.memory_space<vmem>>, vector<1x1x16xf32>,
        %swap3A_544 = vector.shape_cast %swap3A_543 : vector<1x1x16xf32> to vector<16xf32>
        %swap3A_545 = vector.shape_cast %add3A_538 : vector<16xf32> to vector<1x1x16xf32>
        tpu.vector_store %arg7[%swap3A_540, %swap3A_541, %swap3A_542], %swap3A_545 {strides = array<i32>} : memref<5x80x128xf32, #tpu.memory_space<vmem>>, vector<1x1x16xf32>,
      }
      %scan3A_201 = arith.constant 40 : i32
      %scan3A_202 = arith.constant 0 : i32
      %scan3A_203 = arith.constant 40 : i32
      %scan3A_204 = arith.constant 40 : i32
      %scan3A_205 = arith.addi %scan3A_203, %scan3A_204 : i32
      %scan3A_206 = arith.constant 1 : i32
      scf.for %scan3A_383 = %scan3A_203 to %scan3A_205 step %scan3A_206  : i32 {
        %add3A_384 = arith.constant -40 : i32
        %add3A_385 = arith.addi %scan3A_383, %add3A_384 : i32
        %get3A = arith.constant 2 : i32
        %get3A_386 = arith.index_cast %get3A : i32 to index
        %get3A_387 = arith.index_cast %scan3A_383 : i32 to index
        %get3A_388 = arith.constant 0 : index
        %get3A_389 = tpu.vector_load %arg7[%get3A_386, %get3A_387, %get3A_388] {strides = array<i32>} : memref<5x80x128xf32, #tpu.memory_space<vmem>>, vector<1x1x16xf32>,
        %get3A_390 = vector.shape_cast %get3A_389 : vector<1x1x16xf32> to vector<16xf32>
        %get3A_391 = arith.constant 2 : i32
        %get3A_392 = arith.index_cast %get3A_391 : i32 to index
        %get3A_393 = arith.index_cast %scan3A_383 : i32 to index
        %get3A_394 = arith.constant 64 : index
        %get3A_395 = tpu.vector_load %arg7[%get3A_392, %get3A_393, %get3A_394] {strides = array<i32>} : memref<5x80x128xf32, #tpu.memory_space<vmem>>, vector<1x1x16xf32>,
        %get3A_396 = vector.shape_cast %get3A_395 : vector<1x1x16xf32> to vector<16xf32>
        %get3A_397 = arith.index_cast %add3A_385 : i32 to index
        %get3A_398 = arith.constant 0 : index
        %get3A_399 = tpu.vector_load %arg8[%get3A_397, %get3A_398] {strides = array<i32>} : memref<200x128xi32, #tpu.memory_space<vmem>>, vector<1x16xi32>,
        %get3A_400 = vector.shape_cast %get3A_399 : vector<1x16xi32> to vector<16xi32>
        %shift_left3A = arith.constant 16 : i32
        %shift_left3A_401 = vector.broadcast %shift_left3A : i32 to vector<16xi32>
        %shift_left3A_402 = arith.shli %get3A_400, %shift_left3A_401 : vector<16xi32>
        %bitcast_convert_type3A = tpu.bitcast %shift_left3A_402 : vector<16xi32> -> vector<16xf32>
        %bitcast_convert_type3A_403 = tpu.bitcast %get3A_400 : vector<16xi32> -> vector<16xf32>
        %mul3A_404 = arith.mulf %get3A_390, %bitcast_convert_type3A : vector<16xf32>
        %mul3A_405 = arith.mulf %get3A_396, %bitcast_convert_type3A_403 : vector<16xf32>
        %sub3A_406 = arith.subf %mul3A_404, %mul3A_405 : vector<16xf32>
        %swap3A = arith.constant 2 : i32
        %swap3A_407 = arith.index_cast %swap3A : i32 to index
        %swap3A_408 = arith.index_cast %scan3A_383 : i32 to index
        %swap3A_409 = arith.constant 0 : index
        %swap3A_410 = tpu.vector_load %arg7[%swap3A_407, %swap3A_408, %swap3A_409] {strides = array<i32>} : memref<5x80x128xf32, #tpu.memory_space<vmem>>, vector<1x1x16xf32>,
        %swap3A_411 = vector.shape_cast %swap3A_410 : vector<1x1x16xf32> to vector<16xf32>
        %swap3A_412 = vector.shape_cast %sub3A_406 : vector<16xf32> to vector<1x1x16xf32>
        tpu.vector_store %arg7[%swap3A_407, %swap3A_408, %swap3A_409], %swap3A_412 {strides = array<i32>} : memref<5x80x128xf32, #tpu.memory_space<vmem>>, vector<1x1x16xf32>,
        %mul3A_413 = arith.mulf %get3A_390, %bitcast_convert_type3A_403 : vector<16xf32>
        %mul3A_414 = arith.mulf %get3A_396, %bitcast_convert_type3A : vector<16xf32>
        %add3A_415 = arith.addf %mul3A_413, %mul3A_414 : vector<16xf32>
        %swap3A_416 = arith.constant 2 : i32
        %swap3A_417 = arith.index_cast %swap3A_416 : i32 to index
        %swap3A_418 = arith.index_cast %scan3A_383 : i32 to index
        %swap3A_419 = arith.constant 64 : index
        %swap3A_420 = tpu.vector_load %arg7[%swap3A_417, %swap3A_418, %swap3A_419] {strides = array<i32>} : memref<5x80x128xf32, #tpu.memory_space<vmem>>, vector<1x1x16xf32>,
        %swap3A_421 = vector.shape_cast %swap3A_420 : vector<1x1x16xf32> to vector<16xf32>
        %swap3A_422 = vector.shape_cast %add3A_415 : vector<16xf32> to vector<1x1x16xf32>
        tpu.vector_store %arg7[%swap3A_417, %swap3A_418, %swap3A_419], %swap3A_422 {strides = array<i32>} : memref<5x80x128xf32, #tpu.memory_space<vmem>>, vector<1x1x16xf32>,
        %get3A_423 = arith.constant 2 : i32
        %get3A_424 = arith.index_cast %get3A_423 : i32 to index
        %get3A_425 = arith.index_cast %scan3A_383 : i32 to index
        %get3A_426 = arith.constant 16 : index
        %get3A_427 = tpu.vector_load %arg7[%get3A_424, %get3A_425, %get3A_426] {strides = array<i32>} : memref<5x80x128xf32, #tpu.memory_space<vmem>>, vector<1x1x16xf32>,
        %get3A_428 = vector.shape_cast %get3A_427 : vector<1x1x16xf32> to vector<16xf32>
        %get3A_429 = arith.constant 2 : i32
        %get3A_430 = arith.index_cast %get3A_429 : i32 to index
        %get3A_431 = arith.index_cast %scan3A_383 : i32 to index
        %get3A_432 = arith.constant 80 : index
        %get3A_433 = tpu.vector_load %arg7[%get3A_430, %get3A_431, %get3A_432] {strides = array<i32>} : memref<5x80x128xf32, #tpu.memory_space<vmem>>, vector<1x1x16xf32>,
        %get3A_434 = vector.shape_cast %get3A_433 : vector<1x1x16xf32> to vector<16xf32>
        %get3A_435 = arith.index_cast %add3A_385 : i32 to index
        %get3A_436 = arith.constant 16 : index
        %get3A_437 = tpu.vector_load %arg8[%get3A_435, %get3A_436] {strides = array<i32>} : memref<200x128xi32, #tpu.memory_space<vmem>>, vector<1x16xi32>,
        %get3A_438 = vector.shape_cast %get3A_437 : vector<1x16xi32> to vector<16xi32>
        %shift_left3A_439 = arith.constant 16 : i32
        %shift_left3A_440 = vector.broadcast %shift_left3A_439 : i32 to vector<16xi32>
        %shift_left3A_441 = arith.shli %get3A_438, %shift_left3A_440 : vector<16xi32>
        %bitcast_convert_type3A_442 = tpu.bitcast %shift_left3A_441 : vector<16xi32> -> vector<16xf32>
        %bitcast_convert_type3A_443 = tpu.bitcast %get3A_438 : vector<16xi32> -> vector<16xf32>
        %mul3A_444 = arith.mulf %get3A_428, %bitcast_convert_type3A_442 : vector<16xf32>
        %mul3A_445 = arith.mulf %get3A_434, %bitcast_convert_type3A_443 : vector<16xf32>
        %sub3A_446 = arith.subf %mul3A_444, %mul3A_445 : vector<16xf32>
        %swap3A_447 = arith.constant 2 : i32
        %swap3A_448 = arith.index_cast %swap3A_447 : i32 to index
        %swap3A_449 = arith.index_cast %scan3A_383 : i32 to index
        %swap3A_450 = arith.constant 16 : index
        %swap3A_451 = tpu.vector_load %arg7[%swap3A_448, %swap3A_449, %swap3A_450] {strides = array<i32>} : memref<5x80x128xf32, #tpu.memory_space<vmem>>, vector<1x1x16xf32>,
        %swap3A_452 = vector.shape_cast %swap3A_451 : vector<1x1x16xf32> to vector<16xf32>
        %swap3A_453 = vector.shape_cast %sub3A_446 : vector<16xf32> to vector<1x1x16xf32>
        tpu.vector_store %arg7[%swap3A_448, %swap3A_449, %swap3A_450], %swap3A_453 {strides = array<i32>} : memref<5x80x128xf32, #tpu.memory_space<vmem>>, vector<1x1x16xf32>,
        %mul3A_454 = arith.mulf %get3A_428, %bitcast_convert_type3A_443 : vector<16xf32>
        %mul3A_455 = arith.mulf %get3A_434, %bitcast_convert_type3A_442 : vector<16xf32>
        %add3A_456 = arith.addf %mul3A_454, %mul3A_455 : vector<16xf32>
        %swap3A_457 = arith.constant 2 : i32
        %swap3A_458 = arith.index_cast %swap3A_457 : i32 to index
        %swap3A_459 = arith.index_cast %scan3A_383 : i32 to index
        %swap3A_460 = arith.constant 80 : index
        %swap3A_461 = tpu.vector_load %arg7[%swap3A_458, %swap3A_459, %swap3A_460] {strides = array<i32>} : memref<5x80x128xf32, #tpu.memory_space<vmem>>, vector<1x1x16xf32>,
        %swap3A_462 = vector.shape_cast %swap3A_461 : vector<1x1x16xf32> to vector<16xf32>
        %swap3A_463 = vector.shape_cast %add3A_456 : vector<16xf32> to vector<1x1x16xf32>
        tpu.vector_store %arg7[%swap3A_458, %swap3A_459, %swap3A_460], %swap3A_463 {strides = array<i32>} : memref<5x80x128xf32, #tpu.memory_space<vmem>>, vector<1x1x16xf32>,
        %get3A_464 = arith.constant 2 : i32
        %get3A_465 = arith.index_cast %get3A_464 : i32 to index
        %get3A_466 = arith.index_cast %scan3A_383 : i32 to index
        %get3A_467 = arith.constant 32 : index
        %get3A_468 = tpu.vector_load %arg7[%get3A_465, %get3A_466, %get3A_467] {strides = array<i32>} : memref<5x80x128xf32, #tpu.memory_space<vmem>>, vector<1x1x16xf32>,
        %get3A_469 = vector.shape_cast %get3A_468 : vector<1x1x16xf32> to vector<16xf32>
        %get3A_470 = arith.constant 2 : i32
        %get3A_471 = arith.index_cast %get3A_470 : i32 to index
        %get3A_472 = arith.index_cast %scan3A_383 : i32 to index
        %get3A_473 = arith.constant 96 : index
        %get3A_474 = tpu.vector_load %arg7[%get3A_471, %get3A_472, %get3A_473] {strides = array<i32>} : memref<5x80x128xf32, #tpu.memory_space<vmem>>, vector<1x1x16xf32>,
        %get3A_475 = vector.shape_cast %get3A_474 : vector<1x1x16xf32> to vector<16xf32>
        %get3A_476 = arith.index_cast %add3A_385 : i32 to index
        %get3A_477 = arith.constant 32 : index
        %get3A_478 = tpu.vector_load %arg8[%get3A_476, %get3A_477] {strides = array<i32>} : memref<200x128xi32, #tpu.memory_space<vmem>>, vector<1x16xi32>,
        %get3A_479 = vector.shape_cast %get3A_478 : vector<1x16xi32> to vector<16xi32>
        %shift_left3A_480 = arith.constant 16 : i32
        %shift_left3A_481 = vector.broadcast %shift_left3A_480 : i32 to vector<16xi32>
        %shift_left3A_482 = arith.shli %get3A_479, %shift_left3A_481 : vector<16xi32>
        %bitcast_convert_type3A_483 = tpu.bitcast %shift_left3A_482 : vector<16xi32> -> vector<16xf32>
        %bitcast_convert_type3A_484 = tpu.bitcast %get3A_479 : vector<16xi32> -> vector<16xf32>
        %mul3A_485 = arith.mulf %get3A_469, %bitcast_convert_type3A_483 : vector<16xf32>
        %mul3A_486 = arith.mulf %get3A_475, %bitcast_convert_type3A_484 : vector<16xf32>
        %sub3A_487 = arith.subf %mul3A_485, %mul3A_486 : vector<16xf32>
        %swap3A_488 = arith.constant 2 : i32
        %swap3A_489 = arith.index_cast %swap3A_488 : i32 to index
        %swap3A_490 = arith.index_cast %scan3A_383 : i32 to index
        %swap3A_491 = arith.constant 32 : index
        %swap3A_492 = tpu.vector_load %arg7[%swap3A_489, %swap3A_490, %swap3A_491] {strides = array<i32>} : memref<5x80x128xf32, #tpu.memory_space<vmem>>, vector<1x1x16xf32>,
        %swap3A_493 = vector.shape_cast %swap3A_492 : vector<1x1x16xf32> to vector<16xf32>
        %swap3A_494 = vector.shape_cast %sub3A_487 : vector<16xf32> to vector<1x1x16xf32>
        tpu.vector_store %arg7[%swap3A_489, %swap3A_490, %swap3A_491], %swap3A_494 {strides = array<i32>} : memref<5x80x128xf32, #tpu.memory_space<vmem>>, vector<1x1x16xf32>,
        %mul3A_495 = arith.mulf %get3A_469, %bitcast_convert_type3A_484 : vector<16xf32>
        %mul3A_496 = arith.mulf %get3A_475, %bitcast_convert_type3A_483 : vector<16xf32>
        %add3A_497 = arith.addf %mul3A_495, %mul3A_496 : vector<16xf32>
        %swap3A_498 = arith.constant 2 : i32
        %swap3A_499 = arith.index_cast %swap3A_498 : i32 to index
        %swap3A_500 = arith.index_cast %scan3A_383 : i32 to index
        %swap3A_501 = arith.constant 96 : index
        %swap3A_502 = tpu.vector_load %arg7[%swap3A_499, %swap3A_500, %swap3A_501] {strides = array<i32>} : memref<5x80x128xf32, #tpu.memory_space<vmem>>, vector<1x1x16xf32>,
        %swap3A_503 = vector.shape_cast %swap3A_502 : vector<1x1x16xf32> to vector<16xf32>
        %swap3A_504 = vector.shape_cast %add3A_497 : vector<16xf32> to vector<1x1x16xf32>
        tpu.vector_store %arg7[%swap3A_499, %swap3A_500, %swap3A_501], %swap3A_504 {strides = array<i32>} : memref<5x80x128xf32, #tpu.memory_space<vmem>>, vector<1x1x16xf32>,
        %get3A_505 = arith.constant 2 : i32
        %get3A_506 = arith.index_cast %get3A_505 : i32 to index
        %get3A_507 = arith.index_cast %scan3A_383 : i32 to index
        %get3A_508 = arith.constant 48 : index
        %get3A_509 = tpu.vector_load %arg7[%get3A_506, %get3A_507, %get3A_508] {strides = array<i32>} : memref<5x80x128xf32, #tpu.memory_space<vmem>>, vector<1x1x16xf32>,
        %get3A_510 = vector.shape_cast %get3A_509 : vector<1x1x16xf32> to vector<16xf32>
        %get3A_511 = arith.constant 2 : i32
        %get3A_512 = arith.index_cast %get3A_511 : i32 to index
        %get3A_513 = arith.index_cast %scan3A_383 : i32 to index
        %get3A_514 = arith.constant 112 : index
        %get3A_515 = tpu.vector_load %arg7[%get3A_512, %get3A_513, %get3A_514] {strides = array<i32>} : memref<5x80x128xf32, #tpu.memory_space<vmem>>, vector<1x1x16xf32>,
        %get3A_516 = vector.shape_cast %get3A_515 : vector<1x1x16xf32> to vector<16xf32>
        %get3A_517 = arith.index_cast %add3A_385 : i32 to index
        %get3A_518 = arith.constant 48 : index
        %get3A_519 = tpu.vector_load %arg8[%get3A_517, %get3A_518] {strides = array<i32>} : memref<200x128xi32, #tpu.memory_space<vmem>>, vector<1x16xi32>,
        %get3A_520 = vector.shape_cast %get3A_519 : vector<1x16xi32> to vector<16xi32>
        %shift_left3A_521 = arith.constant 16 : i32
        %shift_left3A_522 = vector.broadcast %shift_left3A_521 : i32 to vector<16xi32>
        %shift_left3A_523 = arith.shli %get3A_520, %shift_left3A_522 : vector<16xi32>
        %bitcast_convert_type3A_524 = tpu.bitcast %shift_left3A_523 : vector<16xi32> -> vector<16xf32>
        %bitcast_convert_type3A_525 = tpu.bitcast %get3A_520 : vector<16xi32> -> vector<16xf32>
        %mul3A_526 = arith.mulf %get3A_510, %bitcast_convert_type3A_524 : vector<16xf32>
        %mul3A_527 = arith.mulf %get3A_516, %bitcast_convert_type3A_525 : vector<16xf32>
        %sub3A_528 = arith.subf %mul3A_526, %mul3A_527 : vector<16xf32>
        %swap3A_529 = arith.constant 2 : i32
        %swap3A_530 = arith.index_cast %swap3A_529 : i32 to index
        %swap3A_531 = arith.index_cast %scan3A_383 : i32 to index
        %swap3A_532 = arith.constant 48 : index
        %swap3A_533 = tpu.vector_load %arg7[%swap3A_530, %swap3A_531, %swap3A_532] {strides = array<i32>} : memref<5x80x128xf32, #tpu.memory_space<vmem>>, vector<1x1x16xf32>,
        %swap3A_534 = vector.shape_cast %swap3A_533 : vector<1x1x16xf32> to vector<16xf32>
        %swap3A_535 = vector.shape_cast %sub3A_528 : vector<16xf32> to vector<1x1x16xf32>
        tpu.vector_store %arg7[%swap3A_530, %swap3A_531, %swap3A_532], %swap3A_535 {strides = array<i32>} : memref<5x80x128xf32, #tpu.memory_space<vmem>>, vector<1x1x16xf32>,
        %mul3A_536 = arith.mulf %get3A_510, %bitcast_convert_type3A_525 : vector<16xf32>
        %mul3A_537 = arith.mulf %get3A_516, %bitcast_convert_type3A_524 : vector<16xf32>
        %add3A_538 = arith.addf %mul3A_536, %mul3A_537 : vector<16xf32>
        %swap3A_539 = arith.constant 2 : i32
        %swap3A_540 = arith.index_cast %swap3A_539 : i32 to index
        %swap3A_541 = arith.index_cast %scan3A_383 : i32 to index
        %swap3A_542 = arith.constant 112 : index
        %swap3A_543 = tpu.vector_load %arg7[%swap3A_540, %swap3A_541, %swap3A_542] {strides = array<i32>} : memref<5x80x128xf32, #tpu.memory_space<vmem>>, vector<1x1x16xf32>,
        %swap3A_544 = vector.shape_cast %swap3A_543 : vector<1x1x16xf32> to vector<16xf32>
        %swap3A_545 = vector.shape_cast %add3A_538 : vector<16xf32> to vector<1x1x16xf32>
        tpu.vector_store %arg7[%swap3A_540, %swap3A_541, %swap3A_542], %swap3A_545 {strides = array<i32>} : memref<5x80x128xf32, #tpu.memory_space<vmem>>, vector<1x1x16xf32>,
      }
      %scan3A_207 = arith.constant 40 : i32
      %add3A_208 = arith.addi %mul3A_2, %add3A_185 : i32
      %dma_start3A_209 = arith.constant 2 : i32
      %dma_start3A_210 = arith.constant 0 : i32
      %dma_start3A_211 = arith.constant 0 : i32
      %dma_start3A_212 = tpu.memref_slice %arg7[%dma_start3A_209, %dma_start3A_210, %dma_start3A_211] : memref<5x80x128xf32, #tpu.memory_space<vmem>> -> memref<1x80x128xf32, #tpu.memory_space<vmem>>
      %dma_start3A_213 = tpu.memref_squeeze %dma_start3A_212 : memref<1x80x128xf32, #tpu.memory_space<vmem>> -> memref<80x128xf32, #tpu.memory_space<vmem>>
      %dma_start3A_214 = arith.constant 0 : i32
      %dma_start3A_215 = arith.constant 0 : i32
      %dma_start3A_216 = tpu.memref_slice %arg5[%add3A_208, %dma_start3A_214, %dma_start3A_215] : memref<2560x80x128xf32, #tpu.memory_space<hbm>> -> memref<1x80x128xf32, #tpu.memory_space<hbm>>
      %dma_start3A_217 = tpu.memref_squeeze %dma_start3A_216 : memref<1x80x128xf32, #tpu.memory_space<hbm>> -> memref<80x128xf32, #tpu.memory_space<hbm>>
      %dma_start3A_218 = arith.constant 0 : i32
      %dma_start3A_219 = arith.constant 0 : i32
      %dma_start3A_220 = tpu.memref_slice %arg5[%add3A_208, %dma_start3A_218, %dma_start3A_219] : memref<2560x80x128xf32, #tpu.memory_space<hbm>> -> memref<1x80x128xf32, #tpu.memory_space<hbm>>
      %dma_start3A_221 = tpu.memref_squeeze %dma_start3A_220 : memref<1x80x128xf32, #tpu.memory_space<hbm>> -> memref<80x128xf32, #tpu.memory_space<hbm>>
      %dma_start3A_222 = arith.constant 0 : i32
      %dma_start3A_223 = arith.constant 0 : i32
      %dma_start3A_224 = tpu.memref_slice %arg7[%dma_start3A_209, %dma_start3A_222, %dma_start3A_223] : memref<5x80x128xf32, #tpu.memory_space<vmem>> -> memref<1x80x128xf32, #tpu.memory_space<vmem>>
      %dma_start3A_225 = tpu.memref_squeeze %dma_start3A_224 : memref<1x80x128xf32, #tpu.memory_space<vmem>> -> memref<80x128xf32, #tpu.memory_space<vmem>>
      tpu.enqueue_dma source(%dma_start3A_225 : memref<80x128xf32, #tpu.memory_space<vmem>>) target(%dma_start3A_221 : memref<80x128xf32, #tpu.memory_space<hbm>>) target_semaphore(%arg10 : memref<!tpu.dma_semaphore, #tpu.memory_space<semaphore_mem>>)
      %sub3A_226 = arith.constant 1 : i32
      %sub3A_227 = arith.subi %add3A_185, %sub3A_226 : i32
      %add3A_228 = arith.addi %mul3A_2, %sub3A_227 : i32
      %dma_wait3A_229 = arith.constant 1 : i32
      %dma_wait3A_230 = arith.constant 0 : i32
      %dma_wait3A_231 = arith.constant 0 : i32
      %dma_wait3A_232 = tpu.memref_slice %arg7[%dma_wait3A_229, %dma_wait3A_230, %dma_wait3A_231] : memref<5x80x128xf32, #tpu.memory_space<vmem>> -> memref<1x80x128xf32, #tpu.memory_space<vmem>>
      %dma_wait3A_233 = tpu.memref_squeeze %dma_wait3A_232 : memref<1x80x128xf32, #tpu.memory_space<vmem>> -> memref<80x128xf32, #tpu.memory_space<vmem>>
      %dma_wait3A_234 = arith.constant 0 : i32
      %dma_wait3A_235 = arith.constant 0 : i32
      %dma_wait3A_236 = tpu.memref_slice %arg5[%add3A_228, %dma_wait3A_234, %dma_wait3A_235] : memref<2560x80x128xf32, #tpu.memory_space<hbm>> -> memref<1x80x128xf32, #tpu.memory_space<hbm>>
      %dma_wait3A_237 = tpu.memref_squeeze %dma_wait3A_236 : memref<1x80x128xf32, #tpu.memory_space<hbm>> -> memref<80x128xf32, #tpu.memory_space<hbm>>
      %dma_wait3A_238 = arith.constant 0 : i32
      %dma_wait3A_239 = arith.constant 0 : i32
      %dma_wait3A_240 = tpu.memref_slice %arg5[%add3A_228, %dma_wait3A_238, %dma_wait3A_239] : memref<2560x80x128xf32, #tpu.memory_space<hbm>> -> memref<1x80x128xf32, #tpu.memory_space<hbm>>
      %dma_wait3A_241 = tpu.memref_squeeze %dma_wait3A_240 : memref<1x80x128xf32, #tpu.memory_space<hbm>> -> memref<80x128xf32, #tpu.memory_space<hbm>>
      %dma_wait3A_242 = arith.constant 0 : i32
      %dma_wait3A_243 = arith.constant 0 : i32
      %dma_wait3A_244 = tpu.memref_slice %arg7[%dma_wait3A_229, %dma_wait3A_242, %dma_wait3A_243] : memref<5x80x128xf32, #tpu.memory_space<vmem>> -> memref<1x80x128xf32, #tpu.memory_space<vmem>>
      %dma_wait3A_245 = tpu.memref_squeeze %dma_wait3A_244 : memref<1x80x128xf32, #tpu.memory_space<vmem>> -> memref<80x128xf32, #tpu.memory_space<vmem>>
      tpu.wait_dma2 semaphore(%arg10 : memref<!tpu.dma_semaphore, #tpu.memory_space<semaphore_mem>>) src(%dma_wait3A_245 : memref<80x128xf32, #tpu.memory_space<vmem>>) dst(%dma_wait3A_241 : memref<80x128xf32, #tpu.memory_space<hbm>>)
      %add3A_246 = arith.constant 4 : i32
      %add3A_247 = arith.addi %add3A_185, %add3A_246 : i32
      %lt3A_248 = arith.constant 80 : i32
      %lt3A_249 = arith.cmpi slt, %add3A_247, %lt3A_248 : i32
      %convert_element_type3A_250 = arith.extui %lt3A_249 : i1 to i32
      %cond3A_251 = arith.constant 0 : i32
      %cond3A_252 = arith.cmpi ne, %convert_element_type3A_250, %cond3A_251 : i32
      scf.if %cond3A_252 {
        %add3A_383 = arith.constant 4 : i32
        %add3A_384 = arith.addi %add3A_185, %add3A_383 : i32
        %mul3A_385 = arith.constant 80 : i32
        %mul3A_386 = arith.muli %add3A_384, %mul3A_385 : i32
        %dma_start3A_387 = arith.constant 1 : i32
        %dma_start3A_388 = arith.constant 0 : i32
        %dma_start3A_389 = arith.constant 0 : i32
        %dma_start3A_390 = tpu.memref_slice %arg7[%dma_start3A_387, %dma_start3A_388, %dma_start3A_389] : memref<5x80x128xf32, #tpu.memory_space<vmem>> -> memref<1x80x128xf32, #tpu.memory_space<vmem>>
        %dma_start3A_391 = tpu.memref_squeeze %dma_start3A_390 : memref<1x80x128xf32, #tpu.memory_space<vmem>> -> memref<80x128xf32, #tpu.memory_space<vmem>>
        %dma_start3A_392 = tpu.memref_slice %arg6[%mul3A_386] : memref<6400xi32, #tpu.memory_space<vmem>> -> memref<80xi32, #tpu.memory_space<vmem>>
        %dma_start3A_393 = arith.constant 0 : i32
        %dma_start3A_394 = arith.constant 0 : i32
        %dma_start3A_395 = tpu.memref_slice %arg3[%dma_start3A_393, %dma_start3A_394] : memref<100000x128xf32, #tpu.memory_space<hbm>> -> memref<100000x128xf32, #tpu.memory_space<hbm>>
        tpu.enqueue_indirect_dma source(%dma_start3A_395 : memref<100000x128xf32, #tpu.memory_space<hbm>>) target(%dma_start3A_391 : memref<80x128xf32, #tpu.memory_space<vmem>>) offsets(%dma_start3A_392 : memref<80xi32, #tpu.memory_space<vmem>>) semaphore(%arg9 : memref<!tpu.dma_semaphore, #tpu.memory_space<semaphore_mem>>)
      } else {
      }
      %mul3A_253 = arith.constant 5 : i32
      %mul3A_254 = arith.muli %scan3A_65, %mul3A_253 : i32
      %add3A_255 = arith.constant 3 : i32
      %add3A_256 = arith.addi %mul3A_254, %add3A_255 : i32
      %dma_wait3A_257 = arith.constant 3 : i32
      %dma_wait3A_258 = arith.constant 0 : i32
      %dma_wait3A_259 = arith.constant 0 : i32
      %dma_wait3A_260 = tpu.memref_slice %arg7[%dma_wait3A_257, %dma_wait3A_258, %dma_wait3A_259] : memref<5x80x128xf32, #tpu.memory_space<vmem>> -> memref<1x80x128xf32, #tpu.memory_space<vmem>>
      %dma_wait3A_261 = tpu.memref_squeeze %dma_wait3A_260 : memref<1x80x128xf32, #tpu.memory_space<vmem>> -> memref<80x128xf32, #tpu.memory_space<vmem>>
      %dma_wait3A_262 = arith.constant 0 : i32
      %dma_wait3A_263 = tpu.memref_slice %arg6[%dma_wait3A_262] : memref<6400xi32, #tpu.memory_space<vmem>> -> memref<80xi32, #tpu.memory_space<vmem>>
      %dma_wait3A_264 = arith.constant 0 : i32
      %dma_wait3A_265 = arith.constant 0 : i32
      %dma_wait3A_266 = tpu.memref_slice %arg3[%dma_wait3A_264, %dma_wait3A_265] : memref<100000x128xf32, #tpu.memory_space<hbm>> -> memref<100000x128xf32, #tpu.memory_space<hbm>>
      tpu.wait_indirect_dma semaphore(%arg9 : memref<!tpu.dma_semaphore, #tpu.memory_space<semaphore_mem>>) src(%dma_wait3A_266 : memref<100000x128xf32, #tpu.memory_space<hbm>>) dst(%dma_wait3A_261 : memref<80x128xf32, #tpu.memory_space<vmem>>)
      %scan3A_267 = arith.constant 0 : i32
      %scan3A_268 = arith.constant 0 : i32
      %scan3A_269 = arith.constant 80 : i32
      %scan3A_270 = arith.addi %scan3A_268, %scan3A_269 : i32
      %scan3A_271 = arith.constant 1 : i32
      scf.for %scan3A_383 = %scan3A_268 to %scan3A_270 step %scan3A_271  : i32 {
        %add3A_384 = arith.constant 40 : i32
        %add3A_385 = arith.addi %scan3A_383, %add3A_384 : i32
        %get3A = arith.constant 3 : i32
        %get3A_386 = arith.index_cast %get3A : i32 to index
        %get3A_387 = arith.index_cast %scan3A_383 : i32 to index
        %get3A_388 = arith.constant 0 : index
        %get3A_389 = tpu.vector_load %arg7[%get3A_386, %get3A_387, %get3A_388] {strides = array<i32>} : memref<5x80x128xf32, #tpu.memory_space<vmem>>, vector<1x1x16xf32>,
        %get3A_390 = vector.shape_cast %get3A_389 : vector<1x1x16xf32> to vector<16xf32>
        %get3A_391 = arith.constant 3 : i32
        %get3A_392 = arith.index_cast %get3A_391 : i32 to index
        %get3A_393 = arith.index_cast %scan3A_383 : i32 to index
        %get3A_394 = arith.constant 64 : index
        %get3A_395 = tpu.vector_load %arg7[%get3A_392, %get3A_393, %get3A_394] {strides = array<i32>} : memref<5x80x128xf32, #tpu.memory_space<vmem>>, vector<1x1x16xf32>,
        %get3A_396 = vector.shape_cast %get3A_395 : vector<1x1x16xf32> to vector<16xf32>
        %get3A_397 = arith.index_cast %add3A_385 : i32 to index
        %get3A_398 = arith.constant 0 : index
        %get3A_399 = tpu.vector_load %arg8[%get3A_397, %get3A_398] {strides = array<i32>} : memref<200x128xi32, #tpu.memory_space<vmem>>, vector<1x16xi32>,
        %get3A_400 = vector.shape_cast %get3A_399 : vector<1x16xi32> to vector<16xi32>
        %shift_left3A = arith.constant 16 : i32
        %shift_left3A_401 = vector.broadcast %shift_left3A : i32 to vector<16xi32>
        %shift_left3A_402 = arith.shli %get3A_400, %shift_left3A_401 : vector<16xi32>
        %bitcast_convert_type3A = tpu.bitcast %shift_left3A_402 : vector<16xi32> -> vector<16xf32>
        %bitcast_convert_type3A_403 = tpu.bitcast %get3A_400 : vector<16xi32> -> vector<16xf32>
        %mul3A_404 = arith.mulf %get3A_390, %bitcast_convert_type3A : vector<16xf32>
        %mul3A_405 = arith.mulf %get3A_396, %bitcast_convert_type3A_403 : vector<16xf32>
        %sub3A_406 = arith.subf %mul3A_404, %mul3A_405 : vector<16xf32>
        %swap3A = arith.constant 3 : i32
        %swap3A_407 = arith.index_cast %swap3A : i32 to index
        %swap3A_408 = arith.index_cast %scan3A_383 : i32 to index
        %swap3A_409 = arith.constant 0 : index
        %swap3A_410 = tpu.vector_load %arg7[%swap3A_407, %swap3A_408, %swap3A_409] {strides = array<i32>} : memref<5x80x128xf32, #tpu.memory_space<vmem>>, vector<1x1x16xf32>,
        %swap3A_411 = vector.shape_cast %swap3A_410 : vector<1x1x16xf32> to vector<16xf32>
        %swap3A_412 = vector.shape_cast %sub3A_406 : vector<16xf32> to vector<1x1x16xf32>
        tpu.vector_store %arg7[%swap3A_407, %swap3A_408, %swap3A_409], %swap3A_412 {strides = array<i32>} : memref<5x80x128xf32, #tpu.memory_space<vmem>>, vector<1x1x16xf32>,
        %mul3A_413 = arith.mulf %get3A_390, %bitcast_convert_type3A_403 : vector<16xf32>
        %mul3A_414 = arith.mulf %get3A_396, %bitcast_convert_type3A : vector<16xf32>
        %add3A_415 = arith.addf %mul3A_413, %mul3A_414 : vector<16xf32>
        %swap3A_416 = arith.constant 3 : i32
        %swap3A_417 = arith.index_cast %swap3A_416 : i32 to index
        %swap3A_418 = arith.index_cast %scan3A_383 : i32 to index
        %swap3A_419 = arith.constant 64 : index
        %swap3A_420 = tpu.vector_load %arg7[%swap3A_417, %swap3A_418, %swap3A_419] {strides = array<i32>} : memref<5x80x128xf32, #tpu.memory_space<vmem>>, vector<1x1x16xf32>,
        %swap3A_421 = vector.shape_cast %swap3A_420 : vector<1x1x16xf32> to vector<16xf32>
        %swap3A_422 = vector.shape_cast %add3A_415 : vector<16xf32> to vector<1x1x16xf32>
        tpu.vector_store %arg7[%swap3A_417, %swap3A_418, %swap3A_419], %swap3A_422 {strides = array<i32>} : memref<5x80x128xf32, #tpu.memory_space<vmem>>, vector<1x1x16xf32>,
        %get3A_423 = arith.constant 3 : i32
        %get3A_424 = arith.index_cast %get3A_423 : i32 to index
        %get3A_425 = arith.index_cast %scan3A_383 : i32 to index
        %get3A_426 = arith.constant 16 : index
        %get3A_427 = tpu.vector_load %arg7[%get3A_424, %get3A_425, %get3A_426] {strides = array<i32>} : memref<5x80x128xf32, #tpu.memory_space<vmem>>, vector<1x1x16xf32>,
        %get3A_428 = vector.shape_cast %get3A_427 : vector<1x1x16xf32> to vector<16xf32>
        %get3A_429 = arith.constant 3 : i32
        %get3A_430 = arith.index_cast %get3A_429 : i32 to index
        %get3A_431 = arith.index_cast %scan3A_383 : i32 to index
        %get3A_432 = arith.constant 80 : index
        %get3A_433 = tpu.vector_load %arg7[%get3A_430, %get3A_431, %get3A_432] {strides = array<i32>} : memref<5x80x128xf32, #tpu.memory_space<vmem>>, vector<1x1x16xf32>,
        %get3A_434 = vector.shape_cast %get3A_433 : vector<1x1x16xf32> to vector<16xf32>
        %get3A_435 = arith.index_cast %add3A_385 : i32 to index
        %get3A_436 = arith.constant 16 : index
        %get3A_437 = tpu.vector_load %arg8[%get3A_435, %get3A_436] {strides = array<i32>} : memref<200x128xi32, #tpu.memory_space<vmem>>, vector<1x16xi32>,
        %get3A_438 = vector.shape_cast %get3A_437 : vector<1x16xi32> to vector<16xi32>
        %shift_left3A_439 = arith.constant 16 : i32
        %shift_left3A_440 = vector.broadcast %shift_left3A_439 : i32 to vector<16xi32>
        %shift_left3A_441 = arith.shli %get3A_438, %shift_left3A_440 : vector<16xi32>
        %bitcast_convert_type3A_442 = tpu.bitcast %shift_left3A_441 : vector<16xi32> -> vector<16xf32>
        %bitcast_convert_type3A_443 = tpu.bitcast %get3A_438 : vector<16xi32> -> vector<16xf32>
        %mul3A_444 = arith.mulf %get3A_428, %bitcast_convert_type3A_442 : vector<16xf32>
        %mul3A_445 = arith.mulf %get3A_434, %bitcast_convert_type3A_443 : vector<16xf32>
        %sub3A_446 = arith.subf %mul3A_444, %mul3A_445 : vector<16xf32>
        %swap3A_447 = arith.constant 3 : i32
        %swap3A_448 = arith.index_cast %swap3A_447 : i32 to index
        %swap3A_449 = arith.index_cast %scan3A_383 : i32 to index
        %swap3A_450 = arith.constant 16 : index
        %swap3A_451 = tpu.vector_load %arg7[%swap3A_448, %swap3A_449, %swap3A_450] {strides = array<i32>} : memref<5x80x128xf32, #tpu.memory_space<vmem>>, vector<1x1x16xf32>,
        %swap3A_452 = vector.shape_cast %swap3A_451 : vector<1x1x16xf32> to vector<16xf32>
        %swap3A_453 = vector.shape_cast %sub3A_446 : vector<16xf32> to vector<1x1x16xf32>
        tpu.vector_store %arg7[%swap3A_448, %swap3A_449, %swap3A_450], %swap3A_453 {strides = array<i32>} : memref<5x80x128xf32, #tpu.memory_space<vmem>>, vector<1x1x16xf32>,
        %mul3A_454 = arith.mulf %get3A_428, %bitcast_convert_type3A_443 : vector<16xf32>
        %mul3A_455 = arith.mulf %get3A_434, %bitcast_convert_type3A_442 : vector<16xf32>
        %add3A_456 = arith.addf %mul3A_454, %mul3A_455 : vector<16xf32>
        %swap3A_457 = arith.constant 3 : i32
        %swap3A_458 = arith.index_cast %swap3A_457 : i32 to index
        %swap3A_459 = arith.index_cast %scan3A_383 : i32 to index
        %swap3A_460 = arith.constant 80 : index
        %swap3A_461 = tpu.vector_load %arg7[%swap3A_458, %swap3A_459, %swap3A_460] {strides = array<i32>} : memref<5x80x128xf32, #tpu.memory_space<vmem>>, vector<1x1x16xf32>,
        %swap3A_462 = vector.shape_cast %swap3A_461 : vector<1x1x16xf32> to vector<16xf32>
        %swap3A_463 = vector.shape_cast %add3A_456 : vector<16xf32> to vector<1x1x16xf32>
        tpu.vector_store %arg7[%swap3A_458, %swap3A_459, %swap3A_460], %swap3A_463 {strides = array<i32>} : memref<5x80x128xf32, #tpu.memory_space<vmem>>, vector<1x1x16xf32>,
        %get3A_464 = arith.constant 3 : i32
        %get3A_465 = arith.index_cast %get3A_464 : i32 to index
        %get3A_466 = arith.index_cast %scan3A_383 : i32 to index
        %get3A_467 = arith.constant 32 : index
        %get3A_468 = tpu.vector_load %arg7[%get3A_465, %get3A_466, %get3A_467] {strides = array<i32>} : memref<5x80x128xf32, #tpu.memory_space<vmem>>, vector<1x1x16xf32>,
        %get3A_469 = vector.shape_cast %get3A_468 : vector<1x1x16xf32> to vector<16xf32>
        %get3A_470 = arith.constant 3 : i32
        %get3A_471 = arith.index_cast %get3A_470 : i32 to index
        %get3A_472 = arith.index_cast %scan3A_383 : i32 to index
        %get3A_473 = arith.constant 96 : index
        %get3A_474 = tpu.vector_load %arg7[%get3A_471, %get3A_472, %get3A_473] {strides = array<i32>} : memref<5x80x128xf32, #tpu.memory_space<vmem>>, vector<1x1x16xf32>,
        %get3A_475 = vector.shape_cast %get3A_474 : vector<1x1x16xf32> to vector<16xf32>
        %get3A_476 = arith.index_cast %add3A_385 : i32 to index
        %get3A_477 = arith.constant 32 : index
        %get3A_478 = tpu.vector_load %arg8[%get3A_476, %get3A_477] {strides = array<i32>} : memref<200x128xi32, #tpu.memory_space<vmem>>, vector<1x16xi32>,
        %get3A_479 = vector.shape_cast %get3A_478 : vector<1x16xi32> to vector<16xi32>
        %shift_left3A_480 = arith.constant 16 : i32
        %shift_left3A_481 = vector.broadcast %shift_left3A_480 : i32 to vector<16xi32>
        %shift_left3A_482 = arith.shli %get3A_479, %shift_left3A_481 : vector<16xi32>
        %bitcast_convert_type3A_483 = tpu.bitcast %shift_left3A_482 : vector<16xi32> -> vector<16xf32>
        %bitcast_convert_type3A_484 = tpu.bitcast %get3A_479 : vector<16xi32> -> vector<16xf32>
        %mul3A_485 = arith.mulf %get3A_469, %bitcast_convert_type3A_483 : vector<16xf32>
        %mul3A_486 = arith.mulf %get3A_475, %bitcast_convert_type3A_484 : vector<16xf32>
        %sub3A_487 = arith.subf %mul3A_485, %mul3A_486 : vector<16xf32>
        %swap3A_488 = arith.constant 3 : i32
        %swap3A_489 = arith.index_cast %swap3A_488 : i32 to index
        %swap3A_490 = arith.index_cast %scan3A_383 : i32 to index
        %swap3A_491 = arith.constant 32 : index
        %swap3A_492 = tpu.vector_load %arg7[%swap3A_489, %swap3A_490, %swap3A_491] {strides = array<i32>} : memref<5x80x128xf32, #tpu.memory_space<vmem>>, vector<1x1x16xf32>,
        %swap3A_493 = vector.shape_cast %swap3A_492 : vector<1x1x16xf32> to vector<16xf32>
        %swap3A_494 = vector.shape_cast %sub3A_487 : vector<16xf32> to vector<1x1x16xf32>
        tpu.vector_store %arg7[%swap3A_489, %swap3A_490, %swap3A_491], %swap3A_494 {strides = array<i32>} : memref<5x80x128xf32, #tpu.memory_space<vmem>>, vector<1x1x16xf32>,
        %mul3A_495 = arith.mulf %get3A_469, %bitcast_convert_type3A_484 : vector<16xf32>
        %mul3A_496 = arith.mulf %get3A_475, %bitcast_convert_type3A_483 : vector<16xf32>
        %add3A_497 = arith.addf %mul3A_495, %mul3A_496 : vector<16xf32>
        %swap3A_498 = arith.constant 3 : i32
        %swap3A_499 = arith.index_cast %swap3A_498 : i32 to index
        %swap3A_500 = arith.index_cast %scan3A_383 : i32 to index
        %swap3A_501 = arith.constant 96 : index
        %swap3A_502 = tpu.vector_load %arg7[%swap3A_499, %swap3A_500, %swap3A_501] {strides = array<i32>} : memref<5x80x128xf32, #tpu.memory_space<vmem>>, vector<1x1x16xf32>,
        %swap3A_503 = vector.shape_cast %swap3A_502 : vector<1x1x16xf32> to vector<16xf32>
        %swap3A_504 = vector.shape_cast %add3A_497 : vector<16xf32> to vector<1x1x16xf32>
        tpu.vector_store %arg7[%swap3A_499, %swap3A_500, %swap3A_501], %swap3A_504 {strides = array<i32>} : memref<5x80x128xf32, #tpu.memory_space<vmem>>, vector<1x1x16xf32>,
        %get3A_505 = arith.constant 3 : i32
        %get3A_506 = arith.index_cast %get3A_505 : i32 to index
        %get3A_507 = arith.index_cast %scan3A_383 : i32 to index
        %get3A_508 = arith.constant 48 : index
        %get3A_509 = tpu.vector_load %arg7[%get3A_506, %get3A_507, %get3A_508] {strides = array<i32>} : memref<5x80x128xf32, #tpu.memory_space<vmem>>, vector<1x1x16xf32>,
        %get3A_510 = vector.shape_cast %get3A_509 : vector<1x1x16xf32> to vector<16xf32>
        %get3A_511 = arith.constant 3 : i32
        %get3A_512 = arith.index_cast %get3A_511 : i32 to index
        %get3A_513 = arith.index_cast %scan3A_383 : i32 to index
        %get3A_514 = arith.constant 112 : index
        %get3A_515 = tpu.vector_load %arg7[%get3A_512, %get3A_513, %get3A_514] {strides = array<i32>} : memref<5x80x128xf32, #tpu.memory_space<vmem>>, vector<1x1x16xf32>,
        %get3A_516 = vector.shape_cast %get3A_515 : vector<1x1x16xf32> to vector<16xf32>
        %get3A_517 = arith.index_cast %add3A_385 : i32 to index
        %get3A_518 = arith.constant 48 : index
        %get3A_519 = tpu.vector_load %arg8[%get3A_517, %get3A_518] {strides = array<i32>} : memref<200x128xi32, #tpu.memory_space<vmem>>, vector<1x16xi32>,
        %get3A_520 = vector.shape_cast %get3A_519 : vector<1x16xi32> to vector<16xi32>
        %shift_left3A_521 = arith.constant 16 : i32
        %shift_left3A_522 = vector.broadcast %shift_left3A_521 : i32 to vector<16xi32>
        %shift_left3A_523 = arith.shli %get3A_520, %shift_left3A_522 : vector<16xi32>
        %bitcast_convert_type3A_524 = tpu.bitcast %shift_left3A_523 : vector<16xi32> -> vector<16xf32>
        %bitcast_convert_type3A_525 = tpu.bitcast %get3A_520 : vector<16xi32> -> vector<16xf32>
        %mul3A_526 = arith.mulf %get3A_510, %bitcast_convert_type3A_524 : vector<16xf32>
        %mul3A_527 = arith.mulf %get3A_516, %bitcast_convert_type3A_525 : vector<16xf32>
        %sub3A_528 = arith.subf %mul3A_526, %mul3A_527 : vector<16xf32>
        %swap3A_529 = arith.constant 3 : i32
        %swap3A_530 = arith.index_cast %swap3A_529 : i32 to index
        %swap3A_531 = arith.index_cast %scan3A_383 : i32 to index
        %swap3A_532 = arith.constant 48 : index
        %swap3A_533 = tpu.vector_load %arg7[%swap3A_530, %swap3A_531, %swap3A_532] {strides = array<i32>} : memref<5x80x128xf32, #tpu.memory_space<vmem>>, vector<1x1x16xf32>,
        %swap3A_534 = vector.shape_cast %swap3A_533 : vector<1x1x16xf32> to vector<16xf32>
        %swap3A_535 = vector.shape_cast %sub3A_528 : vector<16xf32> to vector<1x1x16xf32>
        tpu.vector_store %arg7[%swap3A_530, %swap3A_531, %swap3A_532], %swap3A_535 {strides = array<i32>} : memref<5x80x128xf32, #tpu.memory_space<vmem>>, vector<1x1x16xf32>,
        %mul3A_536 = arith.mulf %get3A_510, %bitcast_convert_type3A_525 : vector<16xf32>
        %mul3A_537 = arith.mulf %get3A_516, %bitcast_convert_type3A_524 : vector<16xf32>
        %add3A_538 = arith.addf %mul3A_536, %mul3A_537 : vector<16xf32>
        %swap3A_539 = arith.constant 3 : i32
        %swap3A_540 = arith.index_cast %swap3A_539 : i32 to index
        %swap3A_541 = arith.index_cast %scan3A_383 : i32 to index
        %swap3A_542 = arith.constant 112 : index
        %swap3A_543 = tpu.vector_load %arg7[%swap3A_540, %swap3A_541, %swap3A_542] {strides = array<i32>} : memref<5x80x128xf32, #tpu.memory_space<vmem>>, vector<1x1x16xf32>,
        %swap3A_544 = vector.shape_cast %swap3A_543 : vector<1x1x16xf32> to vector<16xf32>
        %swap3A_545 = vector.shape_cast %add3A_538 : vector<16xf32> to vector<1x1x16xf32>
        tpu.vector_store %arg7[%swap3A_540, %swap3A_541, %swap3A_542], %swap3A_545 {strides = array<i32>} : memref<5x80x128xf32, #tpu.memory_space<vmem>>, vector<1x1x16xf32>,
      }
      %scan3A_272 = arith.constant 80 : i32
      %add3A_273 = arith.addi %mul3A_2, %add3A_256 : i32
      %dma_start3A_274 = arith.constant 3 : i32
      %dma_start3A_275 = arith.constant 0 : i32
      %dma_start3A_276 = arith.constant 0 : i32
      %dma_start3A_277 = tpu.memref_slice %arg7[%dma_start3A_274, %dma_start3A_275, %dma_start3A_276] : memref<5x80x128xf32, #tpu.memory_space<vmem>> -> memref<1x80x128xf32, #tpu.memory_space<vmem>>
      %dma_start3A_278 = tpu.memref_squeeze %dma_start3A_277 : memref<1x80x128xf32, #tpu.memory_space<vmem>> -> memref<80x128xf32, #tpu.memory_space<vmem>>
      %dma_start3A_279 = arith.constant 0 : i32
      %dma_start3A_280 = arith.constant 0 : i32
      %dma_start3A_281 = tpu.memref_slice %arg5[%add3A_273, %dma_start3A_279, %dma_start3A_280] : memref<2560x80x128xf32, #tpu.memory_space<hbm>> -> memref<1x80x128xf32, #tpu.memory_space<hbm>>
      %dma_start3A_282 = tpu.memref_squeeze %dma_start3A_281 : memref<1x80x128xf32, #tpu.memory_space<hbm>> -> memref<80x128xf32, #tpu.memory_space<hbm>>
      %dma_start3A_283 = arith.constant 0 : i32
      %dma_start3A_284 = arith.constant 0 : i32
      %dma_start3A_285 = tpu.memref_slice %arg5[%add3A_273, %dma_start3A_283, %dma_start3A_284] : memref<2560x80x128xf32, #tpu.memory_space<hbm>> -> memref<1x80x128xf32, #tpu.memory_space<hbm>>
      %dma_start3A_286 = tpu.memref_squeeze %dma_start3A_285 : memref<1x80x128xf32, #tpu.memory_space<hbm>> -> memref<80x128xf32, #tpu.memory_space<hbm>>
      %dma_start3A_287 = arith.constant 0 : i32
      %dma_start3A_288 = arith.constant 0 : i32
      %dma_start3A_289 = tpu.memref_slice %arg7[%dma_start3A_274, %dma_start3A_287, %dma_start3A_288] : memref<5x80x128xf32, #tpu.memory_space<vmem>> -> memref<1x80x128xf32, #tpu.memory_space<vmem>>
      %dma_start3A_290 = tpu.memref_squeeze %dma_start3A_289 : memref<1x80x128xf32, #tpu.memory_space<vmem>> -> memref<80x128xf32, #tpu.memory_space<vmem>>
      tpu.enqueue_dma source(%dma_start3A_290 : memref<80x128xf32, #tpu.memory_space<vmem>>) target(%dma_start3A_286 : memref<80x128xf32, #tpu.memory_space<hbm>>) target_semaphore(%arg10 : memref<!tpu.dma_semaphore, #tpu.memory_space<semaphore_mem>>)
      %sub3A_291 = arith.constant 1 : i32
      %sub3A_292 = arith.subi %add3A_256, %sub3A_291 : i32
      %add3A_293 = arith.addi %mul3A_2, %sub3A_292 : i32
      %dma_wait3A_294 = arith.constant 2 : i32
      %dma_wait3A_295 = arith.constant 0 : i32
      %dma_wait3A_296 = arith.constant 0 : i32
      %dma_wait3A_297 = tpu.memref_slice %arg7[%dma_wait3A_294, %dma_wait3A_295, %dma_wait3A_296] : memref<5x80x128xf32, #tpu.memory_space<vmem>> -> memref<1x80x128xf32, #tpu.memory_space<vmem>>
      %dma_wait3A_298 = tpu.memref_squeeze %dma_wait3A_297 : memref<1x80x128xf32, #tpu.memory_space<vmem>> -> memref<80x128xf32, #tpu.memory_space<vmem>>
      %dma_wait3A_299 = arith.constant 0 : i32
      %dma_wait3A_300 = arith.constant 0 : i32
      %dma_wait3A_301 = tpu.memref_slice %arg5[%add3A_293, %dma_wait3A_299, %dma_wait3A_300] : memref<2560x80x128xf32, #tpu.memory_space<hbm>> -> memref<1x80x128xf32, #tpu.memory_space<hbm>>
      %dma_wait3A_302 = tpu.memref_squeeze %dma_wait3A_301 : memref<1x80x128xf32, #tpu.memory_space<hbm>> -> memref<80x128xf32, #tpu.memory_space<hbm>>
      %dma_wait3A_303 = arith.constant 0 : i32
      %dma_wait3A_304 = arith.constant 0 : i32
      %dma_wait3A_305 = tpu.memref_slice %arg5[%add3A_293, %dma_wait3A_303, %dma_wait3A_304] : memref<2560x80x128xf32, #tpu.memory_space<hbm>> -> memref<1x80x128xf32, #tpu.memory_space<hbm>>
      %dma_wait3A_306 = tpu.memref_squeeze %dma_wait3A_305 : memref<1x80x128xf32, #tpu.memory_space<hbm>> -> memref<80x128xf32, #tpu.memory_space<hbm>>
      %dma_wait3A_307 = arith.constant 0 : i32
      %dma_wait3A_308 = arith.constant 0 : i32
      %dma_wait3A_309 = tpu.memref_slice %arg7[%dma_wait3A_294, %dma_wait3A_307, %dma_wait3A_308] : memref<5x80x128xf32, #tpu.memory_space<vmem>> -> memref<1x80x128xf32, #tpu.memory_space<vmem>>
      %dma_wait3A_310 = tpu.memref_squeeze %dma_wait3A_309 : memref<1x80x128xf32, #tpu.memory_space<vmem>> -> memref<80x128xf32, #tpu.memory_space<vmem>>
      tpu.wait_dma2 semaphore(%arg10 : memref<!tpu.dma_semaphore, #tpu.memory_space<semaphore_mem>>) src(%dma_wait3A_310 : memref<80x128xf32, #tpu.memory_space<vmem>>) dst(%dma_wait3A_306 : memref<80x128xf32, #tpu.memory_space<hbm>>)
      %add3A_311 = arith.constant 4 : i32
      %add3A_312 = arith.addi %add3A_256, %add3A_311 : i32
      %lt3A_313 = arith.constant 80 : i32
      %lt3A_314 = arith.cmpi slt, %add3A_312, %lt3A_313 : i32
      %convert_element_type3A_315 = arith.extui %lt3A_314 : i1 to i32
      %cond3A_316 = arith.constant 0 : i32
      %cond3A_317 = arith.cmpi ne, %convert_element_type3A_315, %cond3A_316 : i32
      scf.if %cond3A_317 {
        %add3A_383 = arith.constant 4 : i32
        %add3A_384 = arith.addi %add3A_256, %add3A_383 : i32
        %mul3A_385 = arith.constant 80 : i32
        %mul3A_386 = arith.muli %add3A_384, %mul3A_385 : i32
        %dma_start3A_387 = arith.constant 2 : i32
        %dma_start3A_388 = arith.constant 0 : i32
        %dma_start3A_389 = arith.constant 0 : i32
        %dma_start3A_390 = tpu.memref_slice %arg7[%dma_start3A_387, %dma_start3A_388, %dma_start3A_389] : memref<5x80x128xf32, #tpu.memory_space<vmem>> -> memref<1x80x128xf32, #tpu.memory_space<vmem>>
        %dma_start3A_391 = tpu.memref_squeeze %dma_start3A_390 : memref<1x80x128xf32, #tpu.memory_space<vmem>> -> memref<80x128xf32, #tpu.memory_space<vmem>>
        %dma_start3A_392 = tpu.memref_slice %arg6[%mul3A_386] : memref<6400xi32, #tpu.memory_space<vmem>> -> memref<80xi32, #tpu.memory_space<vmem>>
        %dma_start3A_393 = arith.constant 0 : i32
        %dma_start3A_394 = arith.constant 0 : i32
        %dma_start3A_395 = tpu.memref_slice %arg3[%dma_start3A_393, %dma_start3A_394] : memref<100000x128xf32, #tpu.memory_space<hbm>> -> memref<100000x128xf32, #tpu.memory_space<hbm>>
        tpu.enqueue_indirect_dma source(%dma_start3A_395 : memref<100000x128xf32, #tpu.memory_space<hbm>>) target(%dma_start3A_391 : memref<80x128xf32, #tpu.memory_space<vmem>>) offsets(%dma_start3A_392 : memref<80xi32, #tpu.memory_space<vmem>>) semaphore(%arg9 : memref<!tpu.dma_semaphore, #tpu.memory_space<semaphore_mem>>)
      } else {
      }
      %mul3A_318 = arith.constant 5 : i32
      %mul3A_319 = arith.muli %scan3A_65, %mul3A_318 : i32
      %add3A_320 = arith.constant 4 : i32
      %add3A_321 = arith.addi %mul3A_319, %add3A_320 : i32
      %dma_wait3A_322 = arith.constant 4 : i32
      %dma_wait3A_323 = arith.constant 0 : i32
      %dma_wait3A_324 = arith.constant 0 : i32
      %dma_wait3A_325 = tpu.memref_slice %arg7[%dma_wait3A_322, %dma_wait3A_323, %dma_wait3A_324] : memref<5x80x128xf32, #tpu.memory_space<vmem>> -> memref<1x80x128xf32, #tpu.memory_space<vmem>>
      %dma_wait3A_326 = tpu.memref_squeeze %dma_wait3A_325 : memref<1x80x128xf32, #tpu.memory_space<vmem>> -> memref<80x128xf32, #tpu.memory_space<vmem>>
      %dma_wait3A_327 = arith.constant 0 : i32
      %dma_wait3A_328 = tpu.memref_slice %arg6[%dma_wait3A_327] : memref<6400xi32, #tpu.memory_space<vmem>> -> memref<80xi32, #tpu.memory_space<vmem>>
      %dma_wait3A_329 = arith.constant 0 : i32
      %dma_wait3A_330 = arith.constant 0 : i32
      %dma_wait3A_331 = tpu.memref_slice %arg3[%dma_wait3A_329, %dma_wait3A_330] : memref<100000x128xf32, #tpu.memory_space<hbm>> -> memref<100000x128xf32, #tpu.memory_space<hbm>>
      tpu.wait_indirect_dma semaphore(%arg9 : memref<!tpu.dma_semaphore, #tpu.memory_space<semaphore_mem>>) src(%dma_wait3A_331 : memref<100000x128xf32, #tpu.memory_space<hbm>>) dst(%dma_wait3A_326 : memref<80x128xf32, #tpu.memory_space<vmem>>)
      %scan3A_332 = arith.constant 0 : i32
      %scan3A_333 = arith.constant 0 : i32
      %scan3A_334 = arith.constant 80 : i32
      %scan3A_335 = arith.addi %scan3A_333, %scan3A_334 : i32
      %scan3A_336 = arith.constant 1 : i32
      scf.for %scan3A_383 = %scan3A_333 to %scan3A_335 step %scan3A_336  : i32 {
        %add3A_384 = arith.constant 120 : i32
        %add3A_385 = arith.addi %scan3A_383, %add3A_384 : i32
        %get3A = arith.constant 4 : i32
        %get3A_386 = arith.index_cast %get3A : i32 to index
        %get3A_387 = arith.index_cast %scan3A_383 : i32 to index
        %get3A_388 = arith.constant 0 : index
        %get3A_389 = tpu.vector_load %arg7[%get3A_386, %get3A_387, %get3A_388] {strides = array<i32>} : memref<5x80x128xf32, #tpu.memory_space<vmem>>, vector<1x1x16xf32>,
        %get3A_390 = vector.shape_cast %get3A_389 : vector<1x1x16xf32> to vector<16xf32>
        %get3A_391 = arith.constant 4 : i32
        %get3A_392 = arith.index_cast %get3A_391 : i32 to index
        %get3A_393 = arith.index_cast %scan3A_383 : i32 to index
        %get3A_394 = arith.constant 64 : index
        %get3A_395 = tpu.vector_load %arg7[%get3A_392, %get3A_393, %get3A_394] {strides = array<i32>} : memref<5x80x128xf32, #tpu.memory_space<vmem>>, vector<1x1x16xf32>,
        %get3A_396 = vector.shape_cast %get3A_395 : vector<1x1x16xf32> to vector<16xf32>
        %get3A_397 = arith.index_cast %add3A_385 : i32 to index
        %get3A_398 = arith.constant 0 : index
        %get3A_399 = tpu.vector_load %arg8[%get3A_397, %get3A_398] {strides = array<i32>} : memref<200x128xi32, #tpu.memory_space<vmem>>, vector<1x16xi32>,
        %get3A_400 = vector.shape_cast %get3A_399 : vector<1x16xi32> to vector<16xi32>
        %shift_left3A = arith.constant 16 : i32
        %shift_left3A_401 = vector.broadcast %shift_left3A : i32 to vector<16xi32>
        %shift_left3A_402 = arith.shli %get3A_400, %shift_left3A_401 : vector<16xi32>
        %bitcast_convert_type3A = tpu.bitcast %shift_left3A_402 : vector<16xi32> -> vector<16xf32>
        %bitcast_convert_type3A_403 = tpu.bitcast %get3A_400 : vector<16xi32> -> vector<16xf32>
        %mul3A_404 = arith.mulf %get3A_390, %bitcast_convert_type3A : vector<16xf32>
        %mul3A_405 = arith.mulf %get3A_396, %bitcast_convert_type3A_403 : vector<16xf32>
        %sub3A_406 = arith.subf %mul3A_404, %mul3A_405 : vector<16xf32>
        %swap3A = arith.constant 4 : i32
        %swap3A_407 = arith.index_cast %swap3A : i32 to index
        %swap3A_408 = arith.index_cast %scan3A_383 : i32 to index
        %swap3A_409 = arith.constant 0 : index
        %swap3A_410 = tpu.vector_load %arg7[%swap3A_407, %swap3A_408, %swap3A_409] {strides = array<i32>} : memref<5x80x128xf32, #tpu.memory_space<vmem>>, vector<1x1x16xf32>,
        %swap3A_411 = vector.shape_cast %swap3A_410 : vector<1x1x16xf32> to vector<16xf32>
        %swap3A_412 = vector.shape_cast %sub3A_406 : vector<16xf32> to vector<1x1x16xf32>
        tpu.vector_store %arg7[%swap3A_407, %swap3A_408, %swap3A_409], %swap3A_412 {strides = array<i32>} : memref<5x80x128xf32, #tpu.memory_space<vmem>>, vector<1x1x16xf32>,
        %mul3A_413 = arith.mulf %get3A_390, %bitcast_convert_type3A_403 : vector<16xf32>
        %mul3A_414 = arith.mulf %get3A_396, %bitcast_convert_type3A : vector<16xf32>
        %add3A_415 = arith.addf %mul3A_413, %mul3A_414 : vector<16xf32>
        %swap3A_416 = arith.constant 4 : i32
        %swap3A_417 = arith.index_cast %swap3A_416 : i32 to index
        %swap3A_418 = arith.index_cast %scan3A_383 : i32 to index
        %swap3A_419 = arith.constant 64 : index
        %swap3A_420 = tpu.vector_load %arg7[%swap3A_417, %swap3A_418, %swap3A_419] {strides = array<i32>} : memref<5x80x128xf32, #tpu.memory_space<vmem>>, vector<1x1x16xf32>,
        %swap3A_421 = vector.shape_cast %swap3A_420 : vector<1x1x16xf32> to vector<16xf32>
        %swap3A_422 = vector.shape_cast %add3A_415 : vector<16xf32> to vector<1x1x16xf32>
        tpu.vector_store %arg7[%swap3A_417, %swap3A_418, %swap3A_419], %swap3A_422 {strides = array<i32>} : memref<5x80x128xf32, #tpu.memory_space<vmem>>, vector<1x1x16xf32>,
        %get3A_423 = arith.constant 4 : i32
        %get3A_424 = arith.index_cast %get3A_423 : i32 to index
        %get3A_425 = arith.index_cast %scan3A_383 : i32 to index
        %get3A_426 = arith.constant 16 : index
        %get3A_427 = tpu.vector_load %arg7[%get3A_424, %get3A_425, %get3A_426] {strides = array<i32>} : memref<5x80x128xf32, #tpu.memory_space<vmem>>, vector<1x1x16xf32>,
        %get3A_428 = vector.shape_cast %get3A_427 : vector<1x1x16xf32> to vector<16xf32>
        %get3A_429 = arith.constant 4 : i32
        %get3A_430 = arith.index_cast %get3A_429 : i32 to index
        %get3A_431 = arith.index_cast %scan3A_383 : i32 to index
        %get3A_432 = arith.constant 80 : index
        %get3A_433 = tpu.vector_load %arg7[%get3A_430, %get3A_431, %get3A_432] {strides = array<i32>} : memref<5x80x128xf32, #tpu.memory_space<vmem>>, vector<1x1x16xf32>,
        %get3A_434 = vector.shape_cast %get3A_433 : vector<1x1x16xf32> to vector<16xf32>
        %get3A_435 = arith.index_cast %add3A_385 : i32 to index
        %get3A_436 = arith.constant 16 : index
        %get3A_437 = tpu.vector_load %arg8[%get3A_435, %get3A_436] {strides = array<i32>} : memref<200x128xi32, #tpu.memory_space<vmem>>, vector<1x16xi32>,
        %get3A_438 = vector.shape_cast %get3A_437 : vector<1x16xi32> to vector<16xi32>
        %shift_left3A_439 = arith.constant 16 : i32
        %shift_left3A_440 = vector.broadcast %shift_left3A_439 : i32 to vector<16xi32>
        %shift_left3A_441 = arith.shli %get3A_438, %shift_left3A_440 : vector<16xi32>
        %bitcast_convert_type3A_442 = tpu.bitcast %shift_left3A_441 : vector<16xi32> -> vector<16xf32>
        %bitcast_convert_type3A_443 = tpu.bitcast %get3A_438 : vector<16xi32> -> vector<16xf32>
        %mul3A_444 = arith.mulf %get3A_428, %bitcast_convert_type3A_442 : vector<16xf32>
        %mul3A_445 = arith.mulf %get3A_434, %bitcast_convert_type3A_443 : vector<16xf32>
        %sub3A_446 = arith.subf %mul3A_444, %mul3A_445 : vector<16xf32>
        %swap3A_447 = arith.constant 4 : i32
        %swap3A_448 = arith.index_cast %swap3A_447 : i32 to index
        %swap3A_449 = arith.index_cast %scan3A_383 : i32 to index
        %swap3A_450 = arith.constant 16 : index
        %swap3A_451 = tpu.vector_load %arg7[%swap3A_448, %swap3A_449, %swap3A_450] {strides = array<i32>} : memref<5x80x128xf32, #tpu.memory_space<vmem>>, vector<1x1x16xf32>,
        %swap3A_452 = vector.shape_cast %swap3A_451 : vector<1x1x16xf32> to vector<16xf32>
        %swap3A_453 = vector.shape_cast %sub3A_446 : vector<16xf32> to vector<1x1x16xf32>
        tpu.vector_store %arg7[%swap3A_448, %swap3A_449, %swap3A_450], %swap3A_453 {strides = array<i32>} : memref<5x80x128xf32, #tpu.memory_space<vmem>>, vector<1x1x16xf32>,
        %mul3A_454 = arith.mulf %get3A_428, %bitcast_convert_type3A_443 : vector<16xf32>
        %mul3A_455 = arith.mulf %get3A_434, %bitcast_convert_type3A_442 : vector<16xf32>
        %add3A_456 = arith.addf %mul3A_454, %mul3A_455 : vector<16xf32>
        %swap3A_457 = arith.constant 4 : i32
        %swap3A_458 = arith.index_cast %swap3A_457 : i32 to index
        %swap3A_459 = arith.index_cast %scan3A_383 : i32 to index
        %swap3A_460 = arith.constant 80 : index
        %swap3A_461 = tpu.vector_load %arg7[%swap3A_458, %swap3A_459, %swap3A_460] {strides = array<i32>} : memref<5x80x128xf32, #tpu.memory_space<vmem>>, vector<1x1x16xf32>,
        %swap3A_462 = vector.shape_cast %swap3A_461 : vector<1x1x16xf32> to vector<16xf32>
        %swap3A_463 = vector.shape_cast %add3A_456 : vector<16xf32> to vector<1x1x16xf32>
        tpu.vector_store %arg7[%swap3A_458, %swap3A_459, %swap3A_460], %swap3A_463 {strides = array<i32>} : memref<5x80x128xf32, #tpu.memory_space<vmem>>, vector<1x1x16xf32>,
        %get3A_464 = arith.constant 4 : i32
        %get3A_465 = arith.index_cast %get3A_464 : i32 to index
        %get3A_466 = arith.index_cast %scan3A_383 : i32 to index
        %get3A_467 = arith.constant 32 : index
        %get3A_468 = tpu.vector_load %arg7[%get3A_465, %get3A_466, %get3A_467] {strides = array<i32>} : memref<5x80x128xf32, #tpu.memory_space<vmem>>, vector<1x1x16xf32>,
        %get3A_469 = vector.shape_cast %get3A_468 : vector<1x1x16xf32> to vector<16xf32>
        %get3A_470 = arith.constant 4 : i32
        %get3A_471 = arith.index_cast %get3A_470 : i32 to index
        %get3A_472 = arith.index_cast %scan3A_383 : i32 to index
        %get3A_473 = arith.constant 96 : index
        %get3A_474 = tpu.vector_load %arg7[%get3A_471, %get3A_472, %get3A_473] {strides = array<i32>} : memref<5x80x128xf32, #tpu.memory_space<vmem>>, vector<1x1x16xf32>,
        %get3A_475 = vector.shape_cast %get3A_474 : vector<1x1x16xf32> to vector<16xf32>
        %get3A_476 = arith.index_cast %add3A_385 : i32 to index
        %get3A_477 = arith.constant 32 : index
        %get3A_478 = tpu.vector_load %arg8[%get3A_476, %get3A_477] {strides = array<i32>} : memref<200x128xi32, #tpu.memory_space<vmem>>, vector<1x16xi32>,
        %get3A_479 = vector.shape_cast %get3A_478 : vector<1x16xi32> to vector<16xi32>
        %shift_left3A_480 = arith.constant 16 : i32
        %shift_left3A_481 = vector.broadcast %shift_left3A_480 : i32 to vector<16xi32>
        %shift_left3A_482 = arith.shli %get3A_479, %shift_left3A_481 : vector<16xi32>
        %bitcast_convert_type3A_483 = tpu.bitcast %shift_left3A_482 : vector<16xi32> -> vector<16xf32>
        %bitcast_convert_type3A_484 = tpu.bitcast %get3A_479 : vector<16xi32> -> vector<16xf32>
        %mul3A_485 = arith.mulf %get3A_469, %bitcast_convert_type3A_483 : vector<16xf32>
        %mul3A_486 = arith.mulf %get3A_475, %bitcast_convert_type3A_484 : vector<16xf32>
        %sub3A_487 = arith.subf %mul3A_485, %mul3A_486 : vector<16xf32>
        %swap3A_488 = arith.constant 4 : i32
        %swap3A_489 = arith.index_cast %swap3A_488 : i32 to index
        %swap3A_490 = arith.index_cast %scan3A_383 : i32 to index
        %swap3A_491 = arith.constant 32 : index
        %swap3A_492 = tpu.vector_load %arg7[%swap3A_489, %swap3A_490, %swap3A_491] {strides = array<i32>} : memref<5x80x128xf32, #tpu.memory_space<vmem>>, vector<1x1x16xf32>,
        %swap3A_493 = vector.shape_cast %swap3A_492 : vector<1x1x16xf32> to vector<16xf32>
        %swap3A_494 = vector.shape_cast %sub3A_487 : vector<16xf32> to vector<1x1x16xf32>
        tpu.vector_store %arg7[%swap3A_489, %swap3A_490, %swap3A_491], %swap3A_494 {strides = array<i32>} : memref<5x80x128xf32, #tpu.memory_space<vmem>>, vector<1x1x16xf32>,
        %mul3A_495 = arith.mulf %get3A_469, %bitcast_convert_type3A_484 : vector<16xf32>
        %mul3A_496 = arith.mulf %get3A_475, %bitcast_convert_type3A_483 : vector<16xf32>
        %add3A_497 = arith.addf %mul3A_495, %mul3A_496 : vector<16xf32>
        %swap3A_498 = arith.constant 4 : i32
        %swap3A_499 = arith.index_cast %swap3A_498 : i32 to index
        %swap3A_500 = arith.index_cast %scan3A_383 : i32 to index
        %swap3A_501 = arith.constant 96 : index
        %swap3A_502 = tpu.vector_load %arg7[%swap3A_499, %swap3A_500, %swap3A_501] {strides = array<i32>} : memref<5x80x128xf32, #tpu.memory_space<vmem>>, vector<1x1x16xf32>,
        %swap3A_503 = vector.shape_cast %swap3A_502 : vector<1x1x16xf32> to vector<16xf32>
        %swap3A_504 = vector.shape_cast %add3A_497 : vector<16xf32> to vector<1x1x16xf32>
        tpu.vector_store %arg7[%swap3A_499, %swap3A_500, %swap3A_501], %swap3A_504 {strides = array<i32>} : memref<5x80x128xf32, #tpu.memory_space<vmem>>, vector<1x1x16xf32>,
        %get3A_505 = arith.constant 4 : i32
        %get3A_506 = arith.index_cast %get3A_505 : i32 to index
        %get3A_507 = arith.index_cast %scan3A_383 : i32 to index
        %get3A_508 = arith.constant 48 : index
        %get3A_509 = tpu.vector_load %arg7[%get3A_506, %get3A_507, %get3A_508] {strides = array<i32>} : memref<5x80x128xf32, #tpu.memory_space<vmem>>, vector<1x1x16xf32>,
        %get3A_510 = vector.shape_cast %get3A_509 : vector<1x1x16xf32> to vector<16xf32>
        %get3A_511 = arith.constant 4 : i32
        %get3A_512 = arith.index_cast %get3A_511 : i32 to index
        %get3A_513 = arith.index_cast %scan3A_383 : i32 to index
        %get3A_514 = arith.constant 112 : index
        %get3A_515 = tpu.vector_load %arg7[%get3A_512, %get3A_513, %get3A_514] {strides = array<i32>} : memref<5x80x128xf32, #tpu.memory_space<vmem>>, vector<1x1x16xf32>,
        %get3A_516 = vector.shape_cast %get3A_515 : vector<1x1x16xf32> to vector<16xf32>
        %get3A_517 = arith.index_cast %add3A_385 : i32 to index
        %get3A_518 = arith.constant 48 : index
        %get3A_519 = tpu.vector_load %arg8[%get3A_517, %get3A_518] {strides = array<i32>} : memref<200x128xi32, #tpu.memory_space<vmem>>, vector<1x16xi32>,
        %get3A_520 = vector.shape_cast %get3A_519 : vector<1x16xi32> to vector<16xi32>
        %shift_left3A_521 = arith.constant 16 : i32
        %shift_left3A_522 = vector.broadcast %shift_left3A_521 : i32 to vector<16xi32>
        %shift_left3A_523 = arith.shli %get3A_520, %shift_left3A_522 : vector<16xi32>
        %bitcast_convert_type3A_524 = tpu.bitcast %shift_left3A_523 : vector<16xi32> -> vector<16xf32>
        %bitcast_convert_type3A_525 = tpu.bitcast %get3A_520 : vector<16xi32> -> vector<16xf32>
        %mul3A_526 = arith.mulf %get3A_510, %bitcast_convert_type3A_524 : vector<16xf32>
        %mul3A_527 = arith.mulf %get3A_516, %bitcast_convert_type3A_525 : vector<16xf32>
        %sub3A_528 = arith.subf %mul3A_526, %mul3A_527 : vector<16xf32>
        %swap3A_529 = arith.constant 4 : i32
        %swap3A_530 = arith.index_cast %swap3A_529 : i32 to index
        %swap3A_531 = arith.index_cast %scan3A_383 : i32 to index
        %swap3A_532 = arith.constant 48 : index
        %swap3A_533 = tpu.vector_load %arg7[%swap3A_530, %swap3A_531, %swap3A_532] {strides = array<i32>} : memref<5x80x128xf32, #tpu.memory_space<vmem>>, vector<1x1x16xf32>,
        %swap3A_534 = vector.shape_cast %swap3A_533 : vector<1x1x16xf32> to vector<16xf32>
        %swap3A_535 = vector.shape_cast %sub3A_528 : vector<16xf32> to vector<1x1x16xf32>
        tpu.vector_store %arg7[%swap3A_530, %swap3A_531, %swap3A_532], %swap3A_535 {strides = array<i32>} : memref<5x80x128xf32, #tpu.memory_space<vmem>>, vector<1x1x16xf32>,
        %mul3A_536 = arith.mulf %get3A_510, %bitcast_convert_type3A_525 : vector<16xf32>
        %mul3A_537 = arith.mulf %get3A_516, %bitcast_convert_type3A_524 : vector<16xf32>
        %add3A_538 = arith.addf %mul3A_536, %mul3A_537 : vector<16xf32>
        %swap3A_539 = arith.constant 4 : i32
        %swap3A_540 = arith.index_cast %swap3A_539 : i32 to index
        %swap3A_541 = arith.index_cast %scan3A_383 : i32 to index
        %swap3A_542 = arith.constant 112 : index
        %swap3A_543 = tpu.vector_load %arg7[%swap3A_540, %swap3A_541, %swap3A_542] {strides = array<i32>} : memref<5x80x128xf32, #tpu.memory_space<vmem>>, vector<1x1x16xf32>,
        %swap3A_544 = vector.shape_cast %swap3A_543 : vector<1x1x16xf32> to vector<16xf32>
        %swap3A_545 = vector.shape_cast %add3A_538 : vector<16xf32> to vector<1x1x16xf32>
        tpu.vector_store %arg7[%swap3A_540, %swap3A_541, %swap3A_542], %swap3A_545 {strides = array<i32>} : memref<5x80x128xf32, #tpu.memory_space<vmem>>, vector<1x1x16xf32>,
      }
      %scan3A_337 = arith.constant 80 : i32
      %add3A_338 = arith.addi %mul3A_2, %add3A_321 : i32
      %dma_start3A_339 = arith.constant 4 : i32
      %dma_start3A_340 = arith.constant 0 : i32
      %dma_start3A_341 = arith.constant 0 : i32
      %dma_start3A_342 = tpu.memref_slice %arg7[%dma_start3A_339, %dma_start3A_340, %dma_start3A_341] : memref<5x80x128xf32, #tpu.memory_space<vmem>> -> memref<1x80x128xf32, #tpu.memory_space<vmem>>
      %dma_start3A_343 = tpu.memref_squeeze %dma_start3A_342 : memref<1x80x128xf32, #tpu.memory_space<vmem>> -> memref<80x128xf32, #tpu.memory_space<vmem>>
      %dma_start3A_344 = arith.constant 0 : i32
      %dma_start3A_345 = arith.constant 0 : i32
      %dma_start3A_346 = tpu.memref_slice %arg5[%add3A_338, %dma_start3A_344, %dma_start3A_345] : memref<2560x80x128xf32, #tpu.memory_space<hbm>> -> memref<1x80x128xf32, #tpu.memory_space<hbm>>
      %dma_start3A_347 = tpu.memref_squeeze %dma_start3A_346 : memref<1x80x128xf32, #tpu.memory_space<hbm>> -> memref<80x128xf32, #tpu.memory_space<hbm>>
      %dma_start3A_348 = arith.constant 0 : i32
      %dma_start3A_349 = arith.constant 0 : i32
      %dma_start3A_350 = tpu.memref_slice %arg5[%add3A_338, %dma_start3A_348, %dma_start3A_349] : memref<2560x80x128xf32, #tpu.memory_space<hbm>> -> memref<1x80x128xf32, #tpu.memory_space<hbm>>
      %dma_start3A_351 = tpu.memref_squeeze %dma_start3A_350 : memref<1x80x128xf32, #tpu.memory_space<hbm>> -> memref<80x128xf32, #tpu.memory_space<hbm>>
      %dma_start3A_352 = arith.constant 0 : i32
      %dma_start3A_353 = arith.constant 0 : i32
      %dma_start3A_354 = tpu.memref_slice %arg7[%dma_start3A_339, %dma_start3A_352, %dma_start3A_353] : memref<5x80x128xf32, #tpu.memory_space<vmem>> -> memref<1x80x128xf32, #tpu.memory_space<vmem>>
      %dma_start3A_355 = tpu.memref_squeeze %dma_start3A_354 : memref<1x80x128xf32, #tpu.memory_space<vmem>> -> memref<80x128xf32, #tpu.memory_space<vmem>>
      tpu.enqueue_dma source(%dma_start3A_355 : memref<80x128xf32, #tpu.memory_space<vmem>>) target(%dma_start3A_351 : memref<80x128xf32, #tpu.memory_space<hbm>>) target_semaphore(%arg10 : memref<!tpu.dma_semaphore, #tpu.memory_space<semaphore_mem>>)
      %sub3A_356 = arith.constant 1 : i32
      %sub3A_357 = arith.subi %add3A_321, %sub3A_356 : i32
      %add3A_358 = arith.addi %mul3A_2, %sub3A_357 : i32
      %dma_wait3A_359 = arith.constant 3 : i32
      %dma_wait3A_360 = arith.constant 0 : i32
      %dma_wait3A_361 = arith.constant 0 : i32
      %dma_wait3A_362 = tpu.memref_slice %arg7[%dma_wait3A_359, %dma_wait3A_360, %dma_wait3A_361] : memref<5x80x128xf32, #tpu.memory_space<vmem>> -> memref<1x80x128xf32, #tpu.memory_space<vmem>>
      %dma_wait3A_363 = tpu.memref_squeeze %dma_wait3A_362 : memref<1x80x128xf32, #tpu.memory_space<vmem>> -> memref<80x128xf32, #tpu.memory_space<vmem>>
      %dma_wait3A_364 = arith.constant 0 : i32
      %dma_wait3A_365 = arith.constant 0 : i32
      %dma_wait3A_366 = tpu.memref_slice %arg5[%add3A_358, %dma_wait3A_364, %dma_wait3A_365] : memref<2560x80x128xf32, #tpu.memory_space<hbm>> -> memref<1x80x128xf32, #tpu.memory_space<hbm>>
      %dma_wait3A_367 = tpu.memref_squeeze %dma_wait3A_366 : memref<1x80x128xf32, #tpu.memory_space<hbm>> -> memref<80x128xf32, #tpu.memory_space<hbm>>
      %dma_wait3A_368 = arith.constant 0 : i32
      %dma_wait3A_369 = arith.constant 0 : i32
      %dma_wait3A_370 = tpu.memref_slice %arg5[%add3A_358, %dma_wait3A_368, %dma_wait3A_369] : memref<2560x80x128xf32, #tpu.memory_space<hbm>> -> memref<1x80x128xf32, #tpu.memory_space<hbm>>
      %dma_wait3A_371 = tpu.memref_squeeze %dma_wait3A_370 : memref<1x80x128xf32, #tpu.memory_space<hbm>> -> memref<80x128xf32, #tpu.memory_space<hbm>>
      %dma_wait3A_372 = arith.constant 0 : i32
      %dma_wait3A_373 = arith.constant 0 : i32
      %dma_wait3A_374 = tpu.memref_slice %arg7[%dma_wait3A_359, %dma_wait3A_372, %dma_wait3A_373] : memref<5x80x128xf32, #tpu.memory_space<vmem>> -> memref<1x80x128xf32, #tpu.memory_space<vmem>>
      %dma_wait3A_375 = tpu.memref_squeeze %dma_wait3A_374 : memref<1x80x128xf32, #tpu.memory_space<vmem>> -> memref<80x128xf32, #tpu.memory_space<vmem>>
      tpu.wait_dma2 semaphore(%arg10 : memref<!tpu.dma_semaphore, #tpu.memory_space<semaphore_mem>>) src(%dma_wait3A_375 : memref<80x128xf32, #tpu.memory_space<vmem>>) dst(%dma_wait3A_371 : memref<80x128xf32, #tpu.memory_space<hbm>>)
      %add3A_376 = arith.constant 4 : i32
      %add3A_377 = arith.addi %add3A_321, %add3A_376 : i32
      %lt3A_378 = arith.constant 80 : i32
      %lt3A_379 = arith.cmpi slt, %add3A_377, %lt3A_378 : i32
      %convert_element_type3A_380 = arith.extui %lt3A_379 : i1 to i32
      %cond3A_381 = arith.constant 0 : i32
      %cond3A_382 = arith.cmpi ne, %convert_element_type3A_380, %cond3A_381 : i32
      scf.if %cond3A_382 {
        %add3A_383 = arith.constant 4 : i32
        %add3A_384 = arith.addi %add3A_321, %add3A_383 : i32
        %mul3A_385 = arith.constant 80 : i32
        %mul3A_386 = arith.muli %add3A_384, %mul3A_385 : i32
        %dma_start3A_387 = arith.constant 3 : i32
        %dma_start3A_388 = arith.constant 0 : i32
        %dma_start3A_389 = arith.constant 0 : i32
        %dma_start3A_390 = tpu.memref_slice %arg7[%dma_start3A_387, %dma_start3A_388, %dma_start3A_389] : memref<5x80x128xf32, #tpu.memory_space<vmem>> -> memref<1x80x128xf32, #tpu.memory_space<vmem>>
        %dma_start3A_391 = tpu.memref_squeeze %dma_start3A_390 : memref<1x80x128xf32, #tpu.memory_space<vmem>> -> memref<80x128xf32, #tpu.memory_space<vmem>>
        %dma_start3A_392 = tpu.memref_slice %arg6[%mul3A_386] : memref<6400xi32, #tpu.memory_space<vmem>> -> memref<80xi32, #tpu.memory_space<vmem>>
        %dma_start3A_393 = arith.constant 0 : i32
        %dma_start3A_394 = arith.constant 0 : i32
        %dma_start3A_395 = tpu.memref_slice %arg3[%dma_start3A_393, %dma_start3A_394] : memref<100000x128xf32, #tpu.memory_space<hbm>> -> memref<100000x128xf32, #tpu.memory_space<hbm>>
        tpu.enqueue_indirect_dma source(%dma_start3A_395 : memref<100000x128xf32, #tpu.memory_space<hbm>>) target(%dma_start3A_391 : memref<80x128xf32, #tpu.memory_space<vmem>>) offsets(%dma_start3A_392 : memref<80xi32, #tpu.memory_space<vmem>>) semaphore(%arg9 : memref<!tpu.dma_semaphore, #tpu.memory_space<semaphore_mem>>)
      } else {
      }
    }
    %scan3A_46 = arith.constant 16 : i32
    %add3A_47 = arith.constant 79 : i32
    %add3A_48 = arith.addi %mul3A_2, %add3A_47 : i32
    %dma_wait3A = arith.constant 4 : i32
    %dma_wait3A_49 = arith.constant 0 : i32
    %dma_wait3A_50 = arith.constant 0 : i32
    %dma_wait3A_51 = tpu.memref_slice %arg7[%dma_wait3A, %dma_wait3A_49, %dma_wait3A_50] : memref<5x80x128xf32, #tpu.memory_space<vmem>> -> memref<1x80x128xf32, #tpu.memory_space<vmem>>
    %dma_wait3A_52 = tpu.memref_squeeze %dma_wait3A_51 : memref<1x80x128xf32, #tpu.memory_space<vmem>> -> memref<80x128xf32, #tpu.memory_space<vmem>>
    %dma_wait3A_53 = arith.constant 0 : i32
    %dma_wait3A_54 = arith.constant 0 : i32
    %dma_wait3A_55 = tpu.memref_slice %arg5[%add3A_48, %dma_wait3A_53, %dma_wait3A_54] : memref<2560x80x128xf32, #tpu.memory_space<hbm>> -> memref<1x80x128xf32, #tpu.memory_space<hbm>>
    %dma_wait3A_56 = tpu.memref_squeeze %dma_wait3A_55 : memref<1x80x128xf32, #tpu.memory_space<hbm>> -> memref<80x128xf32, #tpu.memory_space<hbm>>
    %dma_wait3A_57 = arith.constant 0 : i32
    %dma_wait3A_58 = arith.constant 0 : i32
    %dma_wait3A_59 = tpu.memref_slice %arg5[%add3A_48, %dma_wait3A_57, %dma_wait3A_58] : memref<2560x80x128xf32, #tpu.memory_space<hbm>> -> memref<1x80x128xf32, #tpu.memory_space<hbm>>
    %dma_wait3A_60 = tpu.memref_squeeze %dma_wait3A_59 : memref<1x80x128xf32, #tpu.memory_space<hbm>> -> memref<80x128xf32, #tpu.memory_space<hbm>>
    %dma_wait3A_61 = arith.constant 0 : i32
    %dma_wait3A_62 = arith.constant 0 : i32
    %dma_wait3A_63 = tpu.memref_slice %arg7[%dma_wait3A, %dma_wait3A_61, %dma_wait3A_62] : memref<5x80x128xf32, #tpu.memory_space<vmem>> -> memref<1x80x128xf32, #tpu.memory_space<vmem>>
    %dma_wait3A_64 = tpu.memref_squeeze %dma_wait3A_63 : memref<1x80x128xf32, #tpu.memory_space<vmem>> -> memref<80x128xf32, #tpu.memory_space<vmem>>
    tpu.wait_dma2 semaphore(%arg10 : memref<!tpu.dma_semaphore, #tpu.memory_space<semaphore_mem>>) src(%dma_wait3A_64 : memref<80x128xf32, #tpu.memory_space<vmem>>) dst(%dma_wait3A_60 : memref<80x128xf32, #tpu.memory_space<hbm>>)
    return
  }
}

module attributes {stable_mosaic.version = 14 : i64} {
  func.func @_trig_body(%arg0: memref<200x128xi32, #tpu.memory_space<vmem>>) attributes {dimension_semantics = [], scalar_prefetch = 0 : i64, scratch_operands = 0 : i64, tpu.core_type = #tpu.core_type<tc>} {
    %iota3A = tpu.iota {dimensions = array<i32: 0>} : vector<200x128xi32>
    %convert_element_type3A = arith.sitofp %iota3A : vector<200x128xi32> to vector<200x128xf32>
    %iota3A_0 = tpu.iota {dimensions = array<i32: 1>} : vector<200x128xi32>
    %rem3A = arith.constant 64 : i32
    %rem3A_1 = vector.broadcast %rem3A : i32 to vector<200x128xi32>
    %rem3A_2 = arith.remsi %iota3A_0, %rem3A_1 : vector<200x128xi32>
    %convert_element_type3A_3 = arith.sitofp %rem3A_2 : vector<200x128xi32> to vector<200x128xf32>
    %mul3A = arith.constant -0.0719557852 : f32
    %mul3A_4 = vector.broadcast %mul3A : f32 to vector<200x128xf32>
    %mul3A_5 = arith.mulf %convert_element_type3A_3, %mul3A_4 : vector<200x128xf32>
    %exp3A = math.exp %mul3A_5 : vector<200x128xf32>
    %mul3A_6 = arith.mulf %convert_element_type3A, %exp3A : vector<200x128xf32>
    %cos3A = math.cos %mul3A_6 : vector<200x128xf32>
    %bitcast_convert_type3A = tpu.bitcast %cos3A : vector<200x128xf32> -> vector<200x128xi32>
    %add3A = arith.constant 32767 : i32
    %add3A_7 = vector.broadcast %add3A : i32 to vector<200x128xi32>
    %add3A_8 = arith.addi %bitcast_convert_type3A, %add3A_7 : vector<200x128xi32>
    %shift_right_logical3A = arith.constant 16 : i32
    %shift_right_logical3A_9 = vector.broadcast %shift_right_logical3A : i32 to vector<200x128xi32>
    %shift_right_logical3A_10 = arith.shrui %bitcast_convert_type3A, %shift_right_logical3A_9 : vector<200x128xi32>
    %and3A = arith.constant 1 : i32
    %and3A_11 = vector.broadcast %and3A : i32 to vector<200x128xi32>
    %and3A_12 = arith.andi %shift_right_logical3A_10, %and3A_11 : vector<200x128xi32>
    %add3A_13 = arith.addi %add3A_8, %and3A_12 : vector<200x128xi32>
    %shift_right_logical3A_14 = arith.constant 16 : i32
    %shift_right_logical3A_15 = vector.broadcast %shift_right_logical3A_14 : i32 to vector<200x128xi32>
    %shift_right_logical3A_16 = arith.shrui %add3A_13, %shift_right_logical3A_15 : vector<200x128xi32>
    %sin3A = math.sin %mul3A_6 : vector<200x128xf32>
    %bitcast_convert_type3A_17 = tpu.bitcast %sin3A : vector<200x128xf32> -> vector<200x128xi32>
    %add3A_18 = arith.constant 32767 : i32
    %add3A_19 = vector.broadcast %add3A_18 : i32 to vector<200x128xi32>
    %add3A_20 = arith.addi %bitcast_convert_type3A_17, %add3A_19 : vector<200x128xi32>
    %shift_right_logical3A_21 = arith.constant 16 : i32
    %shift_right_logical3A_22 = vector.broadcast %shift_right_logical3A_21 : i32 to vector<200x128xi32>
    %shift_right_logical3A_23 = arith.shrui %bitcast_convert_type3A_17, %shift_right_logical3A_22 : vector<200x128xi32>
    %and3A_24 = arith.constant 1 : i32
    %and3A_25 = vector.broadcast %and3A_24 : i32 to vector<200x128xi32>
    %and3A_26 = arith.andi %shift_right_logical3A_23, %and3A_25 : vector<200x128xi32>
    %add3A_27 = arith.addi %add3A_20, %and3A_26 : vector<200x128xi32>
    %shift_right_logical3A_28 = arith.constant 16 : i32
    %shift_right_logical3A_29 = vector.broadcast %shift_right_logical3A_28 : i32 to vector<200x128xi32>
    %shift_right_logical3A_30 = arith.shrui %add3A_27, %shift_right_logical3A_29 : vector<200x128xi32>
    %shift_left3A = arith.constant 16 : i32
    %shift_left3A_31 = vector.broadcast %shift_left3A : i32 to vector<200x128xi32>
    %shift_left3A_32 = arith.shli %shift_right_logical3A_30, %shift_left3A_31 : vector<200x128xi32>
    %or3A = arith.ori %shift_right_logical3A_16, %shift_left3A_32 : vector<200x128xi32>
    %lt3A = arith.constant 64 : i32
    %lt3A_33 = vector.broadcast %lt3A : i32 to vector<200x128xi32>
    %lt3A_34 = arith.cmpi slt, %iota3A_0, %lt3A_33 : vector<200x128xi32>
    %jit3A = arith.constant 0 : i32
    %broadcast_in_dim3A = vector.broadcast %jit3A : i32 to vector<200x128xi32>
    %select_n3A = arith.select %lt3A_34, %or3A, %broadcast_in_dim3A : vector<200x128xi1>, vector<200x128xi32>
    %swap3A = arith.constant 0 : index
    %swap3A_35 = arith.constant 0 : index
    %swap3A_36 = vector.load %arg0[%swap3A, %swap3A_35] : memref<200x128xi32, #tpu.memory_space<vmem>>, vector<200x128xi32>
    tpu.vector_store %arg0[%swap3A, %swap3A_35], %select_n3A {strides = array<i32>} : memref<200x128xi32, #tpu.memory_space<vmem>>, vector<200x128xi32>,
    return
  }
}

</mosaic_0001>

<sc_bundles>
// kernel: kernel.4.cloned.1.call-start
scs
__scs_entry_jumppad:
0x0: {  	(pc) =	sbr.rel $0x88, $3  }
0x1: {  	(tag) =	ssettag $0x0;
	lr =	simm.s32 $0x1  }
0x2: {  	[smem:$0x3F9F] =	sst lr;
	_ =	strace $0xD0000000  }
0x3: {  	_ = 	snop  }
0x4: {  	_ = 	snop  }
0x5: {  	_ = 	snop  }
0x6: {  	_ = 	snop  }
0x7: {  	_ = 	snop  }
__scs_overlays_trampoline_lowered:
0x8: {  	[smem:$0x3FAE] =	sst s0  }
0x9: {  	[smem:$0x3FAF] =	sst s1  }
0xa: {  	[smem:$0x3FB0] =	sst s2  }
0xb: {  	[smem:$0x3FB1] =	sst s3  }
0xc: {  	[smem:$0x3FB2] =	sst s4  }
0xd: {  	[smem:$0x3FB3] =	sst s5  }
0xe: {  	[smem:$0x3FB4] =	sst s6  }
0xf: {  	[smem:$0x3FB5] =	sst s7  }
0x10: {  	[smem:$0x3FB6] =	sst s8  }
0x11: {  	[smem:$0x3FB7] =	sst s9;
	s0 =	simm.s32 @!p0 $0x0  }
0x12: {  	s1 =	sld [smem:$0x3F9D];
	s0 =	simm.s32 @p0 $0x1  }
0x13: {  	[smem:$0x3FB8] =	sst s0;
	s0 =	simm.s32 @!p1 $0x0  }
0x14: {  	s2 =	sld [smem:$0x3F9C];
	s0 =	simm.s32 @p1 $0x1  }
0x15: {  	[smem:$0x3FB9] =	sst s0;
	s0 =	simm.s32 @!p2 $0x0  }
0x16: {  	s3 =	sld [smem:$0x3FDB];
	s0 =	simm.s32 @p2 $0x1  }
0x17: {  	s4 =	simm.s32 $0x1BF5;
	[smem:$0x3FBB] =	sst s0  }
0x18: {  	s0 =	sld [smem:$0x3F9E];
	_ =	swait.ge [sflag:s4], $0x0  }
0x19: {  	s7 =	sld [smem:$0x3F9F]  }
0x1a: {  	s8 =	sadd.s32 $0xFFFFE003, lr  }
0x1b: {  	s9 =	sadd.s32 $0xFFFFFEF7, lr;
	s5 =	simm.s32 $0xFFFFFFFF;
	p2 =	slt.u32 s8, $0xFFFFF086  }
0x1c: {  	p1 =	slt.u32 s9, $0xF7A;
	s5 =	simm.s32 @!p2 $0x0  }
0x1d: {  	s5 =	simm.s32 @p1 $0x1;
	p0 =	seq.s32 s7, s2  }
0x1e: {  	s7 =	smul.u32 @!p0 $0xF7A, s2;
	p2 =	seq.s32 @!p0 s5, $0x0  }
0x1f: {  	s9 =	smul.u32 $0xF7A, s1;
	s8 =	simm.s32 @!p0 $0x1BF5;
	p2 =	por !p2, p0  }
0x20: {  	[sflag:s8] =	ssyncset.s32 @!p0 $0xFFFFF086;
	s6 =	sadd.s32 @!p0 s3, s7;
	s7 =	simm.s32 @!p0 $0x108  }
0x21: {  	s3 =	sadd.s32 s3, s9;
	s6 =	sadd.s32 @!p0 $0x88, s6;
	s7 =	simm.s32 @p2 $0x1082  }
0x22: {  	[simem:s7], [sflag:s8] =	dma.local @!p0 [hbm:s6], $0xF7A  }
0x23: {  	s9 =	sor.u32 $0xD0000000, s2;
	s6 =	simm.s32 $0x108;
	_ =	swait.ge @!p0 [sflag:s8], $0x0  }
0x24: {  	s3 =	sadd.s32 $0x88, s3;
	s6 =	simm.s32 @!p1 $0x1082;
	[sflag:s4] =	ssyncset.s32 $0xFFFFF086  }
0x25: {  	[simem:s6], [sflag:s4] =	dma.local [hbm:s3], $0xF7A  }
0x26: {  	[smem:$0x3F9F] =	sst s1;
	(tag) =	ssettag s2;
	_ =	strace s9  }
0x27: {  	s1 =	sld [smem:$0x3FAF]  }
0x28: {  	s2 =	sld [smem:$0x3FB0]  }
0x29: {  	s4 =	sld [smem:$0x3FB2]  }
0x2a: {  	p0 =	seq.s32 s5, $0x0;
	s5 =	sld [smem:$0x3FB3]  }
0x2b: {  	s6 =	sld [smem:$0x3FB4]  }
0x2c: {  	s7 =	sld [smem:$0x3FB5]  }
0x2d: {  	s3 =	simm.s32 $0x108;
	s8 =	sld [smem:$0x3FB6]  }
0x2e: {  	s3 =	simm.s32 @!p0 $0x1082;
	s9 =	sld [smem:$0x3FB7]  }
0x2f: {  	lr =	sadd.s32 s0, s3;
	s0 =	sld [smem:$0x3FAE]  }
0x30: {  	s3 =	sld [smem:$0x3FB1]  }
0x31: {  	[smem:$0x3FBA] =	sst s10  }
0x32: {  	s10 =	sld [smem:$0x3FB8];
	_ =	sdelay $0x3  }
0x33: {  	p0 =	seq.s32 s10, $0x1;
	s10 =	sld [smem:$0x3FBA];
	_ =	sdelay $0x3  }
0x34: {  	[smem:$0x3FBA] =	sst s10  }
0x35: {  	s10 =	sld [smem:$0x3FB9];
	_ =	sdelay $0x3  }
0x36: {  	p1 =	seq.s32 s10, $0x1;
	s10 =	sld [smem:$0x3FBA];
	_ =	sdelay $0x3  }
0x37: {  	[smem:$0x3FBA] =	sst s10  }
0x38: {  	s10 =	sld [smem:$0x3FBB]  }
0x39: {  	_ = 	snop;
	(pc) =	sbr.ind lr, $3  }
0x3a: {  	_ = 	snop  }
0x3b: {  	_ = 	snop  }
0x3c: {  	p2 =	seq.s32 s10, $0x1;
	s10 =	sld [smem:$0x3FBA]  }
0x3d: {  	_ =	shalt  }
0x3e: {  	_ =	shalt  }
0x3f: {  	_ =	shalt  }
0x40: {  	_ =	shalt  }
0x41: {  	_ =	shalt  }
0x42: {  	_ =	shalt  }
0x43: {  	_ =	shalt  }
0x44: {  	_ =	shalt  }
0x45: {  	_ =	shalt  }
0x46: {  	_ =	shalt  }
0x47: {  	_ =	shalt  }
0x48: {  	_ =	shalt  }
0x49: {  	_ =	shalt  }
0x4a: {  	_ =	shalt  }
0x4b: {  	_ =	shalt  }
0x4c: {  	_ =	shalt  }
0x4d: {  	_ =	shalt  }
0x4e: {  	_ =	shalt  }
0x4f: {  	_ =	shalt  }
0x50: {  	_ =	shalt  }
0x51: {  	_ =	shalt  }
0x52: {  	_ =	shalt  }
0x53: {  	_ =	shalt  }
0x54: {  	_ =	shalt  }
0x55: {  	_ =	shalt  }
0x56: {  	_ =	shalt  }
0x57: {  	_ =	shalt  }
0x58: {  	_ =	shalt  }
0x59: {  	_ =	shalt  }
0x5a: {  	_ =	shalt  }
0x5b: {  	_ =	shalt  }
0x5c: {  	_ =	shalt  }
0x5d: {  	_ =	shalt  }
0x5e: {  	_ =	shalt  }
0x5f: {  	_ =	shalt  }
0x60: {  	_ =	shalt  }
0x61: {  	_ =	shalt  }
0x62: {  	_ =	shalt  }
0x63: {  	_ =	shalt  }
0x64: {  	_ =	shalt  }
0x65: {  	_ =	shalt  }
0x66: {  	_ =	shalt  }
0x67: {  	_ =	shalt  }
0x68: {  	_ =	shalt  }
0x69: {  	_ =	shalt  }
0x6a: {  	_ =	shalt  }
0x6b: {  	_ =	shalt  }
0x6c: {  	_ =	shalt  }
0x6d: {  	_ =	shalt  }
0x6e: {  	_ =	shalt  }
0x6f: {  	_ =	shalt  }
0x70: {  	_ =	shalt  }
0x71: {  	_ =	shalt  }
0x72: {  	_ =	shalt  }
0x73: {  	_ =	shalt  }
0x74: {  	_ =	shalt  }
0x75: {  	_ =	shalt  }
0x76: {  	_ =	shalt  }
0x77: {  	_ =	shalt  }
0x78: {  	_ =	shalt  }
0x79: {  	_ =	shalt  }
0x7a: {  	_ =	shalt  }
0x7b: {  	_ =	shalt  }
0x7c: {  	_ =	shalt  }
0x7d: {  	_ =	shalt  }
0x7e: {  	_ =	shalt  }
0x7f: {  	_ =	shalt  }
0x80: {  	_ =	shalt  }
0x81: {  	_ =	shalt  }
0x82: {  	_ =	shalt  }
0x83: {  	_ =	shalt  }
0x84: {  	_ =	shalt  }
0x85: {  	_ =	shalt  }
0x86: {  	_ =	shalt  }
0x87: {  	_ =	shalt  }
.Lfunc_end0:
.L_simem_size_0:
called_computation_lowered:
.L_overlay_start_0:
0x88: {  	s2 =	sld [smem:$0x3FD9]  }
0x89: {  	s3 =	sld [smem:$0x3FFE];
	_ =	sdelay $0x1  }
0x8a: {  	s1 =	srdreg.scid  }
0x8b: {  	s0 =	sand.u32 $0x1, s1  }
0x8c: {  	s17 =	sshll.u32 s0, $0xA;
	s2 =	sadd.s32 s3, s2  }
0x8d: {  	s2 =	sadd.s32 s2, s17  }
0x8e: {  	[smem:$0x3FC6] =	sst s2  }
0x8f: {  	_ = 	snop  }
0x90: {  	s2 =	sld [smem:$0x3FC8]  }
0x91: {  	s18 =	sld [smem:$0x3FD0];
	(tm) =	ssettm $0x1  }
0x92: {  	s4 =	sld [smem:$0x3FFB];
	_ =	sdelay $0x3  }
0x93: {  	_ =	strace s4  }
0x94: {  	s4 =	sld [smem:$0x3FFC];
	_ =	sdelay $0x3  }
0x95: {  	_ =	strace s4  }
0x96: {  	s4 =	sld [smem:$0x3FFD];
	_ =	sdelay $0x3  }
0x97: {  	_ =	strace s4  }
0x98: {  	_ =	strace $0x8FFFFFFF  }
0x99: {  	s19 =	sld [smem:$0x3FDB];
	_ =	sdelay $0x1  }
0x9a: {  	s5 =	simm.s32 $_scs_section_size  }
0x9b: {  	s6 =	simm.s32 $_size__tile_overlayer_lowered;
	s7 =	simm.s32 $_tile_overlayer_lowered  }
0x9c: {  	s22 =	simm.s32 $0x1BFF;
	s21 =	sshll.u32 s7, $0x1;
	s4 =	sadd.s32 s5, s19  }
0x9d: {  	s8 =	simm.s32 $0x0;
	s20 =	sshll.u32 s6, $0x1;
	s6 =	sadd.s32 s21, s4  }
0x9e: {  	[timem:s8], [sflag:s22] =	dma.local [hbm:s6], s20  }
0x9f: {  	_ =	swait.ge [sflag:s22], s20  }
0xa0: {  	s5 =	ssub.s32 $0x0, s20;
	[sflag:s22] =	ssyncset.done $0x0  }
0xa1: {  	[sflag:s22] =	ssyncadd.s32 s5;
	_ =	sdelay $0x1  }
0xa2: {  	s23 =	simm.s32 $0x1B8B  }
0xa3: {  	_ =	swait.ge [sflag:s23], $0x1  }
0xa4: {  	[sflag:s23] =	ssyncset.done $0x0  }
0xa5: {  	s25 =	simm.s32 $0x1B8E;
	s24 =	sld [smem:$0x3FFE];
	[sflag:s23] =	ssyncadd.s32 $0xFFFFFFFF  }
0xa6: {  	s26 =	simm.s32 $execute0_lowered;
	[smem:$0x3FD2] =	sst s25  }
0xa7: {  	s6 =	sshll.u32 s26, $0x1;
	_ =	strace $0x80000046;
	[dreg:$0x1] =	wrdreg $0xFFFFFFFF  }
0xa8: {  	s28 =	simm.s32 $_size_execute0_lowered;
	s4 =	sadd.s32 s4, s6;
	[dreg:$0x0] =	wrdreg $0x0  }
0xa9: {  	s6 =	sshll.u32 s28, $0x1;
	[dreg:$0x2] =	wrdreg s4  }
0xaa: {  	[dreg:$0x3] =	wrdreg s6  }
0xab: {  	[dreg:$0x4] =	wrdreg $0xC0  }
0xac: {  	_ =	task [dreg:s8], $0x5FFFF  }
0xad: {  	[dreg:$0x1] =	wrdreg $0xFFFFFFFF  }
0xae: {  	[dreg:$0x0] =	wrdreg $0x60  }
0xaf: {  	[dreg:$0x2] =	wrdreg s24  }
0xb0: {  	[dreg:$0x3] =	wrdreg s2  }
0xb1: {  	[dreg:$0x4] =	wrdreg s18  }
0xb2: {  	[dreg:$0x5] =	wrdreg $0x9  }
0xb3: {  	_ =	task.clear_ibuf [dreg:s8], $0x6FFFF;
	_ =	strace $0x90000046  }
0xb4: {  	s29 =	simm.s32 $0x9;
	_ =	strace $0x80000048  }
0xb5: {  	_ =	swait.ge [sflag:s29], $0x1  }
0xb6: {  	[sflag:s29] =	ssyncadd.s32 $0xFFFFFFFF  }
0xb7: {  	_ =	strace $0x90000048  }
0xb8: {  	_ =	sfence  }
0xb9: {  	s30 =	sld [smem:$0x0];
	_ =	sdelay $0x2  }
0xba: {  	s31 =	sshll.u32 s1, $0xD;
	s1 =	sshrl.u32 s1, $0x2  }
0xbb: {  	s3 =	sand.u32 $0x4000, s31;
	s1 =	sadd.s32 s1, s30  }
0xbc: {  	s0 =	sor.u32 s3, s0;
	s1 =	sshll.u32 s1, $0x11  }
0xbd: {  	s0 =	sor.u32 s1, s0  }
0xbe: {  	s0 =	sadd.s32 $0x8F2B, s0  }
0xbf: {  	[sflag:s0] =	ssyncadd.remote.s32 $0x1  }
0xc0: {  	_ =	sfence.sel $0xFFFF  }
0xc1: {  	[dreg:$0x0] =	wrdreg $0xFFFFFFFF;
	(pc) =	sbr.abs _section_cstart, $3  }
0xc2: {  	[dreg:$0x1] =	wrdreg $0xFFFFFFFF  }
0xc3: {  	_ =	task.clear_ibuf [dreg:s8], $0x2FFFF;
	_ =	strace $0x9FFFFFFF  }
0xc4: {  	(tm) =	ssettm $0x7FFFFFFF  }
0xc5: {  	_ =	shalt  }
tec
execute0_lowered:
.L_overlay_start_1:
0x0: {  	(tag) =	ssettag $0x1  }
0x1: {  	s0 =	rddreg [dreg:$0x0]  }
0x2: {  	s2 =	rddreg [dreg:$0x1];
	s1 =	srdreg.scid  }
0x3: {  	s6 =	stileid.u32;
	s3 =	rddreg [dreg:$0x2];
	s13 =	simm.s32 $0x3  }
0x4: {  	s15 =	simm.s32 $0x400;
	s16 =	simm.s32 $0x50;
	s17 =	simm.s32 $0x1900  }
0x5: {  	s18 =	simm.s32 $0x4100;
	s19 =	simm.s32 $0xA0;
	s20 =	simm.s32 $0x6900  }
0x6: {  	s21 =	simm.s32 $0xF0;
	s22 =	simm.s32 $0x9100;
	s23 =	simm.s32 $0x1  }
0x7: {  	s24 =	simm.s32 $0xB900;
	s25 =	simm.s32 $0x2;
	s26 =	simm.s32 $0x0  }
0x8: {  	s1 =	sand.u32 $0x1, s1;
	s4 =	sshll.u32 s6, $0x1;
	s6 =	sshrl.u32 s6, $0x2  }
0x9: {  	s5 =	sor.u32 s1, s4;
	s4 =	simm.s32 $0x0;
	s6 =	smul.u32 $0xC800, s6  }
0xa: {  	s1 =	ssub.s32 $0x2, s1;
	s7 =	sshll.u32 s5, $0x7;
	s5 =	smul.u32 $0x50, s5  }
.Ltmp0:
0xb: {  	[smem:$0x7FF] =	sst s4;
	s7 =	sand.u32 $0x380, s7;
	(pc) =	sbr.rel .LBB2_1-.Ltmp0, $4  }
0xc: {  	s31 =	sshrl.u32 s1, $0x1;
	_ =	strace $0x80000047;
	s6 =	sor.u32 s6, s7  }
0xd: {  	s8 =	sor.u32 $0x1, s5;
	s9 =	sor.u32 $0x2, s5;
	s6 =	sshrl.u32 s6, $0x3  }
0xe: {  	s30 =	sadd.s32 s6, s0;
	s6 =	sadd.s32 $0x600, s0;
	s0 =	ssub.s32 s1, s31  }
0xf: {  	s10 =	sor.u32 $0x3, s5;
	s7 =	sadd.s32 $0x1400, s30;
	s11 =	smax.u32 s0, $0x1  }
.LBB2_16:
0x10: {  	s26 =	sadd.s32 $0x1, s26  }
0x11: {  	p0 =	sne.s32 s26, s11  }
.Ltmp1:
0x12: {  	_ = 	snop;
	(pc) =	sbr.rel @!p0 .LBB2_17-.Ltmp1, $4  }
0x13: {  	_ = 	snop  }
0x14: {  	_ =	swait.ge [sflag:s25], $0x2800  }
0x15: {  	[sflag:s25] =	ssyncset.done $0x0  }
0x16: {  	[sflag:s25] =	ssyncadd.s32 $0xFFFFD800  }
.LBB2_1:
0x17: {  	s0 =	simm.s32 $0xE100  }
0x18: {  	[tilespmem:s0], [sflag:$0x3] =	stream.linear.gather [hbm4b:s6+s4], $0x6400, $0x38;
	[tilespmem:$0x14500] =	vst v63  }
0x19: {  	_ =	swait.ge [sflag:s13], $0x6400  }
0x1a: {  	[sflag:s13] =	ssyncset.done $0x0  }
0x1b: {  	s31 =	simm.s32 $0x80;
	[sflag:s13] =	ssyncadd.s32 $0xFFFF9C00  }
0x1c: {  	[tilespmem:s4], [sflag:$0x3] =	stream.strided.gather [hbm4b:s7+s31], $0x1900, s15, s31, $0x38;
	[tilespmem:$0x14500] =	vst v63  }
0x1d: {  	_ =	swait.ge [sflag:s13], $0x1900  }
0x1e: {  	[sflag:s13] =	ssyncset.done $0x0  }
0x1f: {  	[sflag:s13] =	ssyncadd.s32 $0xFFFFE700  }
0x20: {  	[tilespmem:s17], [sflag:$0x1] =	stream.indirect.gather [hbm4b:s2+s16], $0x80, s4, s16, $0xb8;
	[tilespmem:$0x14500] =	vst v63  }
0x21: {  	_ = 	snop  }
0x22: {  	[tilespmem:s18], [sflag:$0x1] =	stream.indirect.gather [hbm4b:s2+s16], $0x80, s16, s16, $0xb8;
	[tilespmem:$0x14500] =	vst v63  }
0x23: {  	_ = 	snop  }
0x24: {  	[tilespmem:s20], [sflag:$0x1] =	stream.indirect.gather [hbm4b:s2+s16], $0x80, s19, s16, $0xb8;
	[tilespmem:$0x14500] =	vst v63  }
0x25: {  	s28 =	simm.s32 $0x0  }
0x26: {  	[tilespmem:s22], [sflag:$0x1] =	stream.indirect.gather [hbm4b:s2+s16], $0x80, s21, s16, $0xb8;
	[tilespmem:$0x14500] =	vst v63  }
.LBB2_2:
0x27: {  	_ =	swait.ge [sflag:s23], $0x2800  }
0x28: {  	[sflag:s23] =	ssyncset.done $0x0  }
0x29: {  	s1 =	simm.s32 $0x0;
	[sflag:s23] =	ssyncadd.s32 $0xFFFFD800  }
0x2a: {  	v1 =	vld [tilespmem:s1+$0xE100]  }
0x2b: {  	v14 =	vld [tilespmem:s1+$0xE130]  }
0x2c: {  	v4 =	vld [tilespmem:s1+$0x1970]  }
0x2d: {  	v6 =	vld [tilespmem:s1+$0x1940]  }
0x2e: {  	v15 =	vld [tilespmem:s1+$0x1930]  }
0x2f: {  	v5 =	vld [tilespmem:s1+$0x1900]  }
0x30: {  	v0 =	vld [tilespmem:s1+$0xE120]  }
0x31: {  	v2 =	vld [tilespmem:s1+$0xE110]  }
0x32: {  	v3 =	vld [tilespmem:s1+$0x1910];
	v12 =	vshll.u32 v14, $0x10;
	v11 =	vmul.f32 v14, v4;
	v13 =	vmul.f32 v1, v6  }
0x33: {  	v7 =	vld [tilespmem:s1+$0x1950];
	v9 =	vshll.u32 v1, $0x10;
	v14 =	vmul.f32 v14, v15;
	v10 =	vmul.f32 v12, v15  }
0x34: {  	s0 =	simm.s32 $0x200;
	v8 =	vmul.f32 v9, v5;
	v12 =	vmul.f32 v12, v4;
	v4 =	vld [tilespmem:s1+$0x1920]  }
.LBB2_3:
0x35: {  	s12 =	sshra.s32 s0, $0x2;
	p0 =	sne.s32 s0, $0x9E00;
	s0 =	sadd.s32 $0x200, s0;
	v5 =	vmul.f32 v1, v5;
	v6 =	vmul.f32 v9, v6;
	v9 =	vld [tilespmem:s1+$0x1960];
	v10 =	vsub.f32 v10, v11  }
0x36: {  	v11 =	vshll.u32 v0, $0x10;
	v1 =	vld [tilespmem:s12+$0xE100];
	v12 =	vadd.f32 v12, v14  }
0x37: {  	v8 =	vsub.f32 v8, v13;
	v13 =	vshll.u32 v2, $0x10;
	v14 =	vld [tilespmem:s12+$0xE130];
	v15 =	vmul.f32 v2, v3;
	[tilespmem:s1+$0x1930] =	vst v10  }
0x38: {  	v6 =	vadd.f32 v6, v5;
	v16 =	vld [tilespmem:s12+$0x1930];
	v2 =	vmul.f32 v2, v7;
	v7 =	vmul.f32 v13, v7;
	[tilespmem:s1+$0x1970] =	vst v12  }
0x39: {  	v3 =	vmul.f32 v13, v3;
	v12 =	vld [tilespmem:s12+$0x1970];
	[tilespmem:s1+$0x1900] =	vst v8;
	v8 =	vmul.f32 v11, v4  }
0x3a: {  	v5 =	vld [tilespmem:s12+$0x1900];
	[tilespmem:s1+$0x1940] =	vst v6;
	v7 =	vadd.f32 v7, v15;
	v10 =	vmul.f32 v0, v9;
	v9 =	vmul.f32 v11, v9  }
0x3b: {  	v4 =	vmul.f32 v0, v4;
	v3 =	vsub.f32 v3, v2;
	v6 =	vld [tilespmem:s12+$0x1940]  }
.Ltmp2:
0x3c: {  	v0 =	vld [tilespmem:s12+$0xE120];
	[tilespmem:s1+$0x1950] =	vst v7;
	v7 =	vsub.f32 v8, v10;
	(pc) =	sbr.rel @p0 .LBB2_3-.Ltmp2, $4  }
0x3d: {  	v13 =	vshll.u32 v14, $0x10;
	v4 =	vadd.f32 v9, v4;
	v2 =	vld [tilespmem:s12+$0xE110];
	[tilespmem:s1+$0x1910] =	vst v3  }
0x3e: {  	v9 =	vshll.u32 v1, $0x10;
	v10 =	vmul.f32 v13, v16;
	v3 =	vld [tilespmem:s12+$0x1910];
	v11 =	vmul.f32 v14, v12;
	[tilespmem:s1+$0x1920] =	vst v7  }
0x3f: {  	v12 =	vmul.f32 v13, v12;
	v8 =	vmul.f32 v9, v5;
	v7 =	vld [tilespmem:s12+$0x1950];
	[tilespmem:s1+$0x1960] =	vst v4;
	s1 =	smov.u32 s12  }
0x40: {  	v14 =	vmul.f32 v14, v16;
	v13 =	vmul.f32 v1, v6;
	v4 =	vld [tilespmem:s1+$0x1920]  }
0x41: {  	v15 =	vld [tilespmem:s1+$0x1960]  }
0x42: {  	v1 =	vmul.f32 v1, v5;
	v5 =	vmul.f32 v9, v6;
	v6 =	vsub.f32 v10, v11  }
0x43: {  	v9 =	vshll.u32 v0, $0x10;
	v10 =	vadd.f32 v12, v14;
	v11 =	vshll.u32 v2, $0x10  }
0x44: {  	v8 =	vsub.f32 v8, v13;
	v12 =	vmul.f32 v2, v3;
	[tilespmem:s1+$0x1930] =	vst v6;
	v6 =	vmul.f32 v11, v7  }
0x45: {  	v1 =	vadd.f32 v5, v1;
	v3 =	vmul.f32 v11, v3;
	v2 =	vmul.f32 v2, v7;
	[tilespmem:s1+$0x1970] =	vst v10  }
0x46: {  	s30 =	smul.u32 $0x5, s28;
	[tilespmem:s1+$0x1900] =	vst v8;
	v5 =	vmul.f32 v9, v4;
	v6 =	vadd.f32 v6, v12;
	v7 =	vmul.f32 v0, v15  }
0x47: {  	[tilespmem:s1+$0x1940] =	vst v1;
	v1 =	vmul.f32 v9, v15;
	v2 =	vsub.f32 v3, v2;
	v0 =	vmul.f32 v0, v4  }
0x48: {  	s0 =	sadd.s32 s5, s30;
	[tilespmem:s1+$0x1950] =	vst v6;
	v3 =	vsub.f32 v5, v7  }
0x49: {  	s0 =	smul.u32 $0x500, s0;
	[tilespmem:s1+$0x1910] =	vst v2;
	v0 =	vadd.f32 v1, v0  }
0x4a: {  	[tilespmem:s1+$0x1920] =	vst v3  }
0x4b: {  	p0 =	seq.s32 s28, $0x0;
	s0 =	sadd.s32 s3, s0;
	[tilespmem:s1+$0x1960] =	vst v0  }
0x4c: {  	[hbm4b:s0+s4] =	stream.linear.scatter [tilespmem:s17], [sflag:$0x2], $0x2800, $0x38;
	[tilespmem:$0x14500] =	vst v63  }
0x4d: {  	s29 =	sadd.s32 $0x4, s30;
	s0 =	simm.s32 @!p0 $0x2  }
0x4e: {  	s14 =	smul.u32 $0x140, s29;
	_ =	swait.ge @!p0 [sflag:s0], $0x2800  }
0x4f: {  	[sflag:s0] =	ssyncset.done @!p0 $0x0  }
0x50: {  	s31 =	sshra.s32 s14, $0x2;
	[sflag:s0] =	ssyncadd.s32 @!p0 $0xFFFFD800  }
0x51: {  	[tilespmem:s24], [sflag:$0x1] =	stream.indirect.gather [hbm4b:s2+s16], $0x80, s31, s16, $0xb8;
	[tilespmem:$0x14500] =	vst v63  }
0x52: {  	_ =	swait.ge [sflag:s23], $0x2800  }
0x53: {  	[sflag:s23] =	ssyncset.done $0x0  }
0x54: {  	s1 =	simm.s32 $0x0;
	[sflag:s23] =	ssyncadd.s32 $0xFFFFD800  }
0x55: {  	v1 =	vld [tilespmem:s1+$0x10900]  }
0x56: {  	v14 =	vld [tilespmem:s1+$0x10930]  }
0x57: {  	v4 =	vld [tilespmem:s1+$0x4170]  }
0x58: {  	v6 =	vld [tilespmem:s1+$0x4140]  }
0x59: {  	v15 =	vld [tilespmem:s1+$0x4130]  }
0x5a: {  	v5 =	vld [tilespmem:s1+$0x4100]  }
0x5b: {  	v0 =	vld [tilespmem:s1+$0x10920]  }
0x5c: {  	v2 =	vld [tilespmem:s1+$0x10910]  }
0x5d: {  	v3 =	vld [tilespmem:s1+$0x4110];
	v12 =	vshll.u32 v14, $0x10;
	v11 =	vmul.f32 v14, v4;
	v13 =	vmul.f32 v1, v6  }
0x5e: {  	v7 =	vld [tilespmem:s1+$0x4150];
	v9 =	vshll.u32 v1, $0x10;
	v14 =	vmul.f32 v14, v15;
	v10 =	vmul.f32 v12, v15  }
0x5f: {  	s0 =	simm.s32 $0x200;
	v8 =	vmul.f32 v9, v5;
	v12 =	vmul.f32 v12, v4;
	v4 =	vld [tilespmem:s1+$0x4120]  }
.LBB2_5:
0x60: {  	s12 =	sshra.s32 s0, $0x2;
	p0 =	sne.s32 s0, $0x9E00;
	s0 =	sadd.s32 $0x200, s0;
	v5 =	vmul.f32 v1, v5;
	v6 =	vmul.f32 v9, v6;
	v9 =	vld [tilespmem:s1+$0x4160];
	v10 =	vsub.f32 v10, v11  }
0x61: {  	v11 =	vshll.u32 v0, $0x10;
	v1 =	vld [tilespmem:s12+$0x10900];
	v12 =	vadd.f32 v12, v14  }
0x62: {  	v8 =	vsub.f32 v8, v13;
	v13 =	vshll.u32 v2, $0x10;
	v14 =	vld [tilespmem:s12+$0x10930];
	v15 =	vmul.f32 v2, v3;
	[tilespmem:s1+$0x4130] =	vst v10  }
0x63: {  	v6 =	vadd.f32 v6, v5;
	v16 =	vld [tilespmem:s12+$0x4130];
	v2 =	vmul.f32 v2, v7;
	v7 =	vmul.f32 v13, v7;
	[tilespmem:s1+$0x4170] =	vst v12  }
0x64: {  	v3 =	vmul.f32 v13, v3;
	v12 =	vld [tilespmem:s12+$0x4170];
	[tilespmem:s1+$0x4100] =	vst v8;
	v8 =	vmul.f32 v11, v4  }
0x65: {  	v5 =	vld [tilespmem:s12+$0x4100];
	[tilespmem:s1+$0x4140] =	vst v6;
	v7 =	vadd.f32 v7, v15;
	v10 =	vmul.f32 v0, v9;
	v9 =	vmul.f32 v11, v9  }
0x66: {  	v4 =	vmul.f32 v0, v4;
	v3 =	vsub.f32 v3, v2;
	v6 =	vld [tilespmem:s12+$0x4140]  }
.Ltmp3:
0x67: {  	v0 =	vld [tilespmem:s12+$0x10920];
	[tilespmem:s1+$0x4150] =	vst v7;
	v7 =	vsub.f32 v8, v10;
	(pc) =	sbr.rel @p0 .LBB2_5-.Ltmp3, $4  }
0x68: {  	v13 =	vshll.u32 v14, $0x10;
	v4 =	vadd.f32 v9, v4;
	v2 =	vld [tilespmem:s12+$0x10910];
	[tilespmem:s1+$0x4110] =	vst v3  }
0x69: {  	v9 =	vshll.u32 v1, $0x10;
	v10 =	vmul.f32 v13, v16;
	v3 =	vld [tilespmem:s12+$0x4110];
	v11 =	vmul.f32 v14, v12;
	[tilespmem:s1+$0x4120] =	vst v7  }
0x6a: {  	v12 =	vmul.f32 v13, v12;
	v8 =	vmul.f32 v9, v5;
	v7 =	vld [tilespmem:s12+$0x4150];
	[tilespmem:s1+$0x4160] =	vst v4;
	s1 =	smov.u32 s12  }
0x6b: {  	v14 =	vmul.f32 v14, v16;
	v13 =	vmul.f32 v1, v6;
	v4 =	vld [tilespmem:s1+$0x4120]  }
0x6c: {  	v15 =	vld [tilespmem:s1+$0x4160]  }
0x6d: {  	v1 =	vmul.f32 v1, v5;
	v5 =	vmul.f32 v9, v6;
	v6 =	vsub.f32 v10, v11  }
0x6e: {  	v9 =	vshll.u32 v0, $0x10;
	v10 =	vadd.f32 v12, v14;
	v11 =	vshll.u32 v2, $0x10  }
0x6f: {  	v8 =	vsub.f32 v8, v13;
	v12 =	vmul.f32 v2, v3;
	[tilespmem:s1+$0x4130] =	vst v6;
	v6 =	vmul.f32 v11, v7  }
0x70: {  	v1 =	vadd.f32 v5, v1;
	v3 =	vmul.f32 v11, v3;
	v2 =	vmul.f32 v2, v7;
	[tilespmem:s1+$0x4170] =	vst v10  }
0x71: {  	[tilespmem:s1+$0x4100] =	vst v8;
	v5 =	vmul.f32 v9, v4;
	v6 =	vadd.f32 v6, v12;
	v7 =	vmul.f32 v0, v15  }
0x72: {  	[tilespmem:s1+$0x4140] =	vst v1;
	v1 =	vmul.f32 v9, v15;
	v2 =	vsub.f32 v3, v2;
	v0 =	vmul.f32 v0, v4  }
0x73: {  	s0 =	sadd.s32 s30, s8;
	[tilespmem:s1+$0x4150] =	vst v6;
	v3 =	vsub.f32 v5, v7  }
0x74: {  	s0 =	smul.u32 $0x500, s0;
	[tilespmem:s1+$0x4110] =	vst v2;
	v0 =	vadd.f32 v1, v0  }
0x75: {  	[tilespmem:s1+$0x4120] =	vst v3  }
0x76: {  	p0 =	seq.s32 s28, $0xF;
	s0 =	sadd.s32 s3, s0;
	[tilespmem:s1+$0x4160] =	vst v0  }
0x77: {  	[hbm4b:s0+s4] =	stream.linear.scatter [tilespmem:s18], [sflag:$0x2], $0x2800, $0x38;
	[tilespmem:$0x14500] =	vst v63  }
0x78: {  	s0 =	smul.u32 @!p0 $0x640, s28  }
0x79: {  	_ =	swait.ge [sflag:s25], $0x2800  }
0x7a: {  	s12 =	simm.s32 @!p0 $0x1900;
	[sflag:s25] =	ssyncset.done $0x0;
	s31 =	sshra.s32 @!p0 s0, $0x2  }
0x7b: {  	s1 =	simm.s32 @!p0 $0x50;
	[sflag:s25] =	ssyncadd.s32 $0xFFFFD800;
	s0 =	sadd.s32 @!p0 $0x190, s31  }
0x7c: {  	[tilespmem:s12], [sflag:$0x1] =	stream.indirect.gather @!p0 [hbm4b:s2+s1], $0x80, s0, s1, $0xb8;
	[tilespmem:$0x14500] =	vst v63  }
0x7d: {  	_ =	swait.ge [sflag:s23], $0x2800  }
0x7e: {  	[sflag:s23] =	ssyncset.done $0x0  }
0x7f: {  	s1 =	simm.s32 $0x0;
	[sflag:s23] =	ssyncadd.s32 $0xFFFFD800  }
0x80: {  	v1 =	vld [tilespmem:s1+$0x13100]  }
0x81: {  	v14 =	vld [tilespmem:s1+$0x13130]  }
0x82: {  	v4 =	vld [tilespmem:s1+$0x6970]  }
0x83: {  	v6 =	vld [tilespmem:s1+$0x6940]  }
0x84: {  	v15 =	vld [tilespmem:s1+$0x6930]  }
0x85: {  	v5 =	vld [tilespmem:s1+$0x6900]  }
0x86: {  	v0 =	vld [tilespmem:s1+$0x13120]  }
0x87: {  	v2 =	vld [tilespmem:s1+$0x13110]  }
0x88: {  	v3 =	vld [tilespmem:s1+$0x6910];
	v12 =	vshll.u32 v14, $0x10;
	v11 =	vmul.f32 v14, v4;
	v13 =	vmul.f32 v1, v6  }
0x89: {  	v7 =	vld [tilespmem:s1+$0x6950];
	v9 =	vshll.u32 v1, $0x10;
	v14 =	vmul.f32 v14, v15;
	v10 =	vmul.f32 v12, v15  }
0x8a: {  	s12 =	simm.s32 $0x200;
	s0 =	simm.s32 $0x0;
	v8 =	vmul.f32 v9, v5;
	v12 =	vmul.f32 v12, v4;
	v4 =	vld [tilespmem:s1+$0x6920]  }
.LBB2_7:
0x8b: {  	s14 =	sshra.s32 s12, $0x2;
	p1 =	sne.s32 s12, $0x4E00;
	s12 =	sadd.s32 $0x200, s12;
	v5 =	vmul.f32 v1, v5;
	v6 =	vmul.f32 v9, v6;
	v9 =	vld [tilespmem:s0+$0x6960];
	v10 =	vsub.f32 v10, v11  }
0x8c: {  	v11 =	vshll.u32 v0, $0x10;
	v1 =	vld [tilespmem:s14+$0x13100];
	v12 =	vadd.f32 v12, v14  }
0x8d: {  	v8 =	vsub.f32 v8, v13;
	v13 =	vshll.u32 v2, $0x10;
	v14 =	vld [tilespmem:s14+$0x13130];
	v15 =	vmul.f32 v2, v3;
	[tilespmem:s0+$0x6930] =	vst v10  }
0x8e: {  	v6 =	vadd.f32 v6, v5;
	v16 =	vld [tilespmem:s14+$0x6930];
	v2 =	vmul.f32 v2, v7;
	v7 =	vmul.f32 v13, v7;
	[tilespmem:s0+$0x6970] =	vst v12  }
0x8f: {  	v3 =	vmul.f32 v13, v3;
	v12 =	vld [tilespmem:s14+$0x6970];
	[tilespmem:s0+$0x6900] =	vst v8;
	v8 =	vmul.f32 v11, v4  }
0x90: {  	v5 =	vld [tilespmem:s14+$0x6900];
	[tilespmem:s0+$0x6940] =	vst v6;
	v7 =	vadd.f32 v7, v15;
	v10 =	vmul.f32 v0, v9;
	v9 =	vmul.f32 v11, v9  }
0x91: {  	v4 =	vmul.f32 v0, v4;
	v3 =	vsub.f32 v3, v2;
	v6 =	vld [tilespmem:s14+$0x6940]  }
.Ltmp4:
0x92: {  	v0 =	vld [tilespmem:s14+$0x13120];
	[tilespmem:s0+$0x6950] =	vst v7;
	v7 =	vsub.f32 v8, v10;
	(pc) =	sbr.rel @p1 .LBB2_7-.Ltmp4, $4  }
0x93: {  	v13 =	vshll.u32 v14, $0x10;
	v4 =	vadd.f32 v9, v4;
	v2 =	vld [tilespmem:s14+$0x13110];
	[tilespmem:s0+$0x6910] =	vst v3  }
0x94: {  	v9 =	vshll.u32 v1, $0x10;
	v10 =	vmul.f32 v13, v16;
	v3 =	vld [tilespmem:s14+$0x6910];
	v11 =	vmul.f32 v14, v12;
	[tilespmem:s0+$0x6920] =	vst v7  }
0x95: {  	v12 =	vmul.f32 v13, v12;
	v8 =	vmul.f32 v9, v5;
	v7 =	vld [tilespmem:s14+$0x6950];
	[tilespmem:s0+$0x6960] =	vst v4;
	s0 =	smov.u32 s14  }
0x96: {  	v14 =	vmul.f32 v14, v16;
	v13 =	vmul.f32 v1, v6;
	v4 =	vld [tilespmem:s0+$0x6920]  }
0x97: {  	v15 =	vld [tilespmem:s0+$0x6960]  }
0x98: {  	v1 =	vmul.f32 v1, v5;
	v5 =	vmul.f32 v9, v6;
	v6 =	vsub.f32 v10, v11  }
0x99: {  	v9 =	vshll.u32 v0, $0x10;
	v10 =	vadd.f32 v12, v14;
	v11 =	vshll.u32 v2, $0x10  }
0x9a: {  	v8 =	vsub.f32 v8, v13;
	v12 =	vmul.f32 v2, v3;
	[tilespmem:s0+$0x6930] =	vst v6;
	v6 =	vmul.f32 v11, v7  }
0x9b: {  	v1 =	vadd.f32 v5, v1;
	v3 =	vmul.f32 v11, v3;
	v2 =	vmul.f32 v2, v7;
	[tilespmem:s0+$0x6970] =	vst v10  }
0x9c: {  	[tilespmem:s0+$0x6900] =	vst v8;
	v5 =	vmul.f32 v9, v4;
	v6 =	vadd.f32 v6, v12;
	v7 =	vmul.f32 v0, v15  }
0x9d: {  	[tilespmem:s0+$0x6940] =	vst v1;
	v1 =	vmul.f32 v9, v15;
	v2 =	vsub.f32 v3, v2;
	v0 =	vmul.f32 v0, v4  }
0x9e: {  	[tilespmem:s0+$0x6950] =	vst v6;
	v3 =	vsub.f32 v5, v7  }
0x9f: {  	[tilespmem:s0+$0x6910] =	vst v2;
	v0 =	vadd.f32 v1, v0  }
0xa0: {  	[tilespmem:s0+$0x6920] =	vst v3  }
0xa1: {  	[tilespmem:s0+$0x6960] =	vst v0  }
0xa2: {  	v1 =	vld [tilespmem:s1+$0xE100]  }
0xa3: {  	v14 =	vld [tilespmem:s1+$0xE130]  }
0xa4: {  	v4 =	vld [tilespmem:s1+$0x7D70]  }
0xa5: {  	v6 =	vld [tilespmem:s1+$0x7D40]  }
0xa6: {  	v15 =	vld [tilespmem:s1+$0x7D30]  }
0xa7: {  	v5 =	vld [tilespmem:s1+$0x7D00]  }
0xa8: {  	v0 =	vld [tilespmem:s1+$0xE120]  }
0xa9: {  	v2 =	vld [tilespmem:s1+$0xE110]  }
0xaa: {  	v3 =	vld [tilespmem:s1+$0x7D10];
	v12 =	vshll.u32 v14, $0x10;
	v11 =	vmul.f32 v14, v4;
	v13 =	vmul.f32 v1, v6  }
0xab: {  	v7 =	vld [tilespmem:s1+$0x7D50];
	v9 =	vshll.u32 v1, $0x10;
	v14 =	vmul.f32 v14, v15;
	v10 =	vmul.f32 v12, v15  }
0xac: {  	s0 =	simm.s32 $0x200;
	v8 =	vmul.f32 v9, v5;
	v12 =	vmul.f32 v12, v4;
	v4 =	vld [tilespmem:s1+$0x7D20]  }
.LBB2_9:
0xad: {  	s12 =	sshra.s32 s0, $0x2;
	p1 =	sne.s32 s0, $0x4E00;
	s0 =	sadd.s32 $0x200, s0;
	v5 =	vmul.f32 v1, v5;
	v6 =	vmul.f32 v9, v6;
	v9 =	vld [tilespmem:s1+$0x7D60];
	v10 =	vsub.f32 v10, v11  }
0xae: {  	v11 =	vshll.u32 v0, $0x10;
	v1 =	vld [tilespmem:s12+$0xE100];
	v12 =	vadd.f32 v12, v14  }
0xaf: {  	v8 =	vsub.f32 v8, v13;
	v13 =	vshll.u32 v2, $0x10;
	v14 =	vld [tilespmem:s12+$0xE130];
	v15 =	vmul.f32 v2, v3;
	[tilespmem:s1+$0x7D30] =	vst v10  }
0xb0: {  	v6 =	vadd.f32 v6, v5;
	v16 =	vld [tilespmem:s12+$0x7D30];
	v2 =	vmul.f32 v2, v7;
	v7 =	vmul.f32 v13, v7;
	[tilespmem:s1+$0x7D70] =	vst v12  }
0xb1: {  	v3 =	vmul.f32 v13, v3;
	v12 =	vld [tilespmem:s12+$0x7D70];
	[tilespmem:s1+$0x7D00] =	vst v8;
	v8 =	vmul.f32 v11, v4  }
0xb2: {  	v5 =	vld [tilespmem:s12+$0x7D00];
	[tilespmem:s1+$0x7D40] =	vst v6;
	v7 =	vadd.f32 v7, v15;
	v10 =	vmul.f32 v0, v9;
	v9 =	vmul.f32 v11, v9  }
0xb3: {  	v4 =	vmul.f32 v0, v4;
	v3 =	vsub.f32 v3, v2;
	v6 =	vld [tilespmem:s12+$0x7D40]  }
.Ltmp5:
0xb4: {  	v0 =	vld [tilespmem:s12+$0xE120];
	[tilespmem:s1+$0x7D50] =	vst v7;
	v7 =	vsub.f32 v8, v10;
	(pc) =	sbr.rel @p1 .LBB2_9-.Ltmp5, $4  }
0xb5: {  	v13 =	vshll.u32 v14, $0x10;
	v4 =	vadd.f32 v9, v4;
	v2 =	vld [tilespmem:s12+$0xE110];
	[tilespmem:s1+$0x7D10] =	vst v3  }
0xb6: {  	v9 =	vshll.u32 v1, $0x10;
	v10 =	vmul.f32 v13, v16;
	v3 =	vld [tilespmem:s12+$0x7D10];
	v11 =	vmul.f32 v14, v12;
	[tilespmem:s1+$0x7D20] =	vst v7  }
0xb7: {  	v12 =	vmul.f32 v13, v12;
	v8 =	vmul.f32 v9, v5;
	v7 =	vld [tilespmem:s12+$0x7D50];
	[tilespmem:s1+$0x7D60] =	vst v4;
	s1 =	smov.u32 s12  }
0xb8: {  	v14 =	vmul.f32 v14, v16;
	v13 =	vmul.f32 v1, v6;
	v4 =	vld [tilespmem:s1+$0x7D20]  }
0xb9: {  	v15 =	vld [tilespmem:s1+$0x7D60]  }
0xba: {  	v1 =	vmul.f32 v1, v5;
	v5 =	vmul.f32 v9, v6;
	v6 =	vsub.f32 v10, v11  }
0xbb: {  	v9 =	vshll.u32 v0, $0x10;
	v10 =	vadd.f32 v12, v14;
	v11 =	vshll.u32 v2, $0x10  }
0xbc: {  	v8 =	vsub.f32 v8, v13;
	v12 =	vmul.f32 v2, v3;
	[tilespmem:s1+$0x7D30] =	vst v6;
	v6 =	vmul.f32 v11, v7  }
0xbd: {  	v1 =	vadd.f32 v5, v1;
	v3 =	vmul.f32 v11, v3;
	v2 =	vmul.f32 v2, v7;
	[tilespmem:s1+$0x7D70] =	vst v10  }
0xbe: {  	[tilespmem:s1+$0x7D00] =	vst v8;
	v5 =	vmul.f32 v9, v4;
	v6 =	vadd.f32 v6, v12;
	v7 =	vmul.f32 v0, v15  }
0xbf: {  	[tilespmem:s1+$0x7D40] =	vst v1;
	v1 =	vmul.f32 v9, v15;
	v2 =	vsub.f32 v3, v2;
	v0 =	vmul.f32 v0, v4  }
0xc0: {  	s0 =	sadd.s32 s30, s9;
	[tilespmem:s1+$0x7D50] =	vst v6;
	v3 =	vsub.f32 v5, v7  }
0xc1: {  	s0 =	smul.u32 $0x500, s0;
	[tilespmem:s1+$0x7D10] =	vst v2;
	v0 =	vadd.f32 v1, v0  }
0xc2: {  	[tilespmem:s1+$0x7D20] =	vst v3  }
0xc3: {  	s0 =	sadd.s32 s3, s0;
	[tilespmem:s1+$0x7D60] =	vst v0  }
0xc4: {  	[hbm4b:s0+s4] =	stream.linear.scatter [tilespmem:s20], [sflag:$0x2], $0x2800, $0x38;
	[tilespmem:$0x14500] =	vst v63  }
0xc5: {  	_ =	swait.ge [sflag:s25], $0x2800  }
0xc6: {  	s12 =	simm.s32 @!p0 $0x4100;
	[sflag:s25] =	ssyncset.done $0x0  }
0xc7: {  	s1 =	simm.s32 @!p0 $0x50;
	s0 =	sadd.s32 @!p0 $0x1E0, s31;
	[sflag:s25] =	ssyncadd.s32 $0xFFFFD800  }
0xc8: {  	[tilespmem:s12], [sflag:$0x1] =	stream.indirect.gather @!p0 [hbm4b:s2+s1], $0x80, s0, s1, $0xb8;
	[tilespmem:$0x14500] =	vst v63  }
0xc9: {  	_ =	swait.ge [sflag:s23], $0x2800  }
0xca: {  	[sflag:s23] =	ssyncset.done $0x0  }
0xcb: {  	s1 =	simm.s32 $0x0;
	[sflag:s23] =	ssyncadd.s32 $0xFFFFD800  }
0xcc: {  	v1 =	vld [tilespmem:s1+$0xF500]  }
0xcd: {  	v14 =	vld [tilespmem:s1+$0xF530]  }
0xce: {  	v4 =	vld [tilespmem:s1+$0x9170]  }
0xcf: {  	v6 =	vld [tilespmem:s1+$0x9140]  }
0xd0: {  	v15 =	vld [tilespmem:s1+$0x9130]  }
0xd1: {  	v5 =	vld [tilespmem:s1+$0x9100]  }
0xd2: {  	v0 =	vld [tilespmem:s1+$0xF520]  }
0xd3: {  	v2 =	vld [tilespmem:s1+$0xF510]  }
0xd4: {  	v3 =	vld [tilespmem:s1+$0x9110];
	v12 =	vshll.u32 v14, $0x10;
	v11 =	vmul.f32 v14, v4;
	v13 =	vmul.f32 v1, v6  }
0xd5: {  	v7 =	vld [tilespmem:s1+$0x9150];
	v9 =	vshll.u32 v1, $0x10;
	v14 =	vmul.f32 v14, v15;
	v10 =	vmul.f32 v12, v15  }
0xd6: {  	s0 =	simm.s32 $0x200;
	v8 =	vmul.f32 v9, v5;
	v12 =	vmul.f32 v12, v4;
	v4 =	vld [tilespmem:s1+$0x9120]  }
.LBB2_11:
0xd7: {  	s12 =	sshra.s32 s0, $0x2;
	p1 =	sne.s32 s0, $0x9E00;
	s0 =	sadd.s32 $0x200, s0;
	v5 =	vmul.f32 v1, v5;
	v6 =	vmul.f32 v9, v6;
	v9 =	vld [tilespmem:s1+$0x9160];
	v10 =	vsub.f32 v10, v11  }
0xd8: {  	v11 =	vshll.u32 v0, $0x10;
	v1 =	vld [tilespmem:s12+$0xF500];
	v12 =	vadd.f32 v12, v14  }
0xd9: {  	v8 =	vsub.f32 v8, v13;
	v13 =	vshll.u32 v2, $0x10;
	v14 =	vld [tilespmem:s12+$0xF530];
	v15 =	vmul.f32 v2, v3;
	[tilespmem:s1+$0x9130] =	vst v10  }
0xda: {  	v6 =	vadd.f32 v6, v5;
	v16 =	vld [tilespmem:s12+$0x9130];
	v2 =	vmul.f32 v2, v7;
	v7 =	vmul.f32 v13, v7;
	[tilespmem:s1+$0x9170] =	vst v12  }
0xdb: {  	v3 =	vmul.f32 v13, v3;
	v12 =	vld [tilespmem:s12+$0x9170];
	[tilespmem:s1+$0x9100] =	vst v8;
	v8 =	vmul.f32 v11, v4  }
0xdc: {  	v5 =	vld [tilespmem:s12+$0x9100];
	[tilespmem:s1+$0x9140] =	vst v6;
	v7 =	vadd.f32 v7, v15;
	v10 =	vmul.f32 v0, v9;
	v9 =	vmul.f32 v11, v9  }
0xdd: {  	v4 =	vmul.f32 v0, v4;
	v3 =	vsub.f32 v3, v2;
	v6 =	vld [tilespmem:s12+$0x9140]  }
.Ltmp6:
0xde: {  	v0 =	vld [tilespmem:s12+$0xF520];
	[tilespmem:s1+$0x9150] =	vst v7;
	v7 =	vsub.f32 v8, v10;
	(pc) =	sbr.rel @p1 .LBB2_11-.Ltmp6, $4  }
0xdf: {  	v13 =	vshll.u32 v14, $0x10;
	v4 =	vadd.f32 v9, v4;
	v2 =	vld [tilespmem:s12+$0xF510];
	[tilespmem:s1+$0x9110] =	vst v3  }
0xe0: {  	v9 =	vshll.u32 v1, $0x10;
	v10 =	vmul.f32 v13, v16;
	v3 =	vld [tilespmem:s12+$0x9110];
	v11 =	vmul.f32 v14, v12;
	[tilespmem:s1+$0x9120] =	vst v7  }
0xe1: {  	v12 =	vmul.f32 v13, v12;
	v8 =	vmul.f32 v9, v5;
	v7 =	vld [tilespmem:s12+$0x9150];
	[tilespmem:s1+$0x9160] =	vst v4;
	s1 =	smov.u32 s12  }
0xe2: {  	v14 =	vmul.f32 v14, v16;
	v13 =	vmul.f32 v1, v6;
	v4 =	vld [tilespmem:s1+$0x9120]  }
0xe3: {  	v15 =	vld [tilespmem:s1+$0x9160]  }
0xe4: {  	v1 =	vmul.f32 v1, v5;
	v5 =	vmul.f32 v9, v6;
	v6 =	vsub.f32 v10, v11  }
0xe5: {  	v9 =	vshll.u32 v0, $0x10;
	v10 =	vadd.f32 v12, v14;
	v11 =	vshll.u32 v2, $0x10  }
0xe6: {  	v8 =	vsub.f32 v8, v13;
	v12 =	vmul.f32 v2, v3;
	[tilespmem:s1+$0x9130] =	vst v6;
	v6 =	vmul.f32 v11, v7  }
0xe7: {  	v1 =	vadd.f32 v5, v1;
	v3 =	vmul.f32 v11, v3;
	v2 =	vmul.f32 v2, v7;
	[tilespmem:s1+$0x9170] =	vst v10  }
0xe8: {  	[tilespmem:s1+$0x9100] =	vst v8;
	v5 =	vmul.f32 v9, v4;
	v6 =	vadd.f32 v6, v12;
	v7 =	vmul.f32 v0, v15  }
0xe9: {  	[tilespmem:s1+$0x9140] =	vst v1;
	v1 =	vmul.f32 v9, v15;
	v2 =	vsub.f32 v3, v2;
	v0 =	vmul.f32 v0, v4  }
0xea: {  	s0 =	sadd.s32 s30, s10;
	[tilespmem:s1+$0x9150] =	vst v6;
	v3 =	vsub.f32 v5, v7  }
0xeb: {  	s0 =	smul.u32 $0x500, s0;
	[tilespmem:s1+$0x9110] =	vst v2;
	v0 =	vadd.f32 v1, v0  }
0xec: {  	[tilespmem:s1+$0x9120] =	vst v3  }
0xed: {  	s0 =	sadd.s32 s3, s0;
	[tilespmem:s1+$0x9160] =	vst v0  }
0xee: {  	[hbm4b:s0+s4] =	stream.linear.scatter [tilespmem:s22], [sflag:$0x2], $0x2800, $0x38;
	[tilespmem:$0x14500] =	vst v63  }
0xef: {  	_ =	swait.ge [sflag:s25], $0x2800  }
0xf0: {  	s12 =	simm.s32 @!p0 $0x6900;
	[sflag:s25] =	ssyncset.done $0x0  }
0xf1: {  	s1 =	simm.s32 @!p0 $0x50;
	s0 =	sadd.s32 @!p0 $0x230, s31;
	[sflag:s25] =	ssyncadd.s32 $0xFFFFD800  }
0xf2: {  	[tilespmem:s12], [sflag:$0x1] =	stream.indirect.gather @!p0 [hbm4b:s2+s1], $0x80, s0, s1, $0xb8;
	[tilespmem:$0x14500] =	vst v63  }
0xf3: {  	_ =	swait.ge [sflag:s23], $0x2800  }
0xf4: {  	[sflag:s23] =	ssyncset.done $0x0  }
0xf5: {  	s1 =	simm.s32 $0x0;
	[sflag:s23] =	ssyncadd.s32 $0xFFFFD800  }
0xf6: {  	v1 =	vld [tilespmem:s1+$0x11D00]  }
0xf7: {  	v14 =	vld [tilespmem:s1+$0x11D30]  }
0xf8: {  	v4 =	vld [tilespmem:s1+$0xB970]  }
0xf9: {  	v6 =	vld [tilespmem:s1+$0xB940]  }
0xfa: {  	v15 =	vld [tilespmem:s1+$0xB930]  }
0xfb: {  	v5 =	vld [tilespmem:s1+$0xB900]  }
0xfc: {  	v0 =	vld [tilespmem:s1+$0x11D20]  }
0xfd: {  	v2 =	vld [tilespmem:s1+$0x11D10]  }
0xfe: {  	v3 =	vld [tilespmem:s1+$0xB910];
	v12 =	vshll.u32 v14, $0x10;
	v11 =	vmul.f32 v14, v4;
	v13 =	vmul.f32 v1, v6  }
0xff: {  	v7 =	vld [tilespmem:s1+$0xB950];
	v9 =	vshll.u32 v1, $0x10;
	v14 =	vmul.f32 v14, v15;
	v10 =	vmul.f32 v12, v15  }
0x100: {  	s0 =	simm.s32 $0x200;
	v8 =	vmul.f32 v9, v5;
	v12 =	vmul.f32 v12, v4;
	v4 =	vld [tilespmem:s1+$0xB920]  }
.LBB2_13:
0x101: {  	s12 =	sshra.s32 s0, $0x2;
	p1 =	sne.s32 s0, $0x9E00;
	s0 =	sadd.s32 $0x200, s0;
	v5 =	vmul.f32 v1, v5;
	v6 =	vmul.f32 v9, v6;
	v9 =	vld [tilespmem:s1+$0xB960];
	v10 =	vsub.f32 v10, v11  }
0x102: {  	v11 =	vshll.u32 v0, $0x10;
	v1 =	vld [tilespmem:s12+$0x11D00];
	v12 =	vadd.f32 v12, v14  }
0x103: {  	v8 =	vsub.f32 v8, v13;
	v13 =	vshll.u32 v2, $0x10;
	v14 =	vld [tilespmem:s12+$0x11D30];
	v15 =	vmul.f32 v2, v3;
	[tilespmem:s1+$0xB930] =	vst v10  }
0x104: {  	v6 =	vadd.f32 v6, v5;
	v16 =	vld [tilespmem:s12+$0xB930];
	v2 =	vmul.f32 v2, v7;
	v7 =	vmul.f32 v13, v7;
	[tilespmem:s1+$0xB970] =	vst v12  }
0x105: {  	v3 =	vmul.f32 v13, v3;
	v12 =	vld [tilespmem:s12+$0xB970];
	[tilespmem:s1+$0xB900] =	vst v8;
	v8 =	vmul.f32 v11, v4  }
0x106: {  	v5 =	vld [tilespmem:s12+$0xB900];
	[tilespmem:s1+$0xB940] =	vst v6;
	v7 =	vadd.f32 v7, v15;
	v10 =	vmul.f32 v0, v9;
	v9 =	vmul.f32 v11, v9  }
0x107: {  	v4 =	vmul.f32 v0, v4;
	v3 =	vsub.f32 v3, v2;
	v6 =	vld [tilespmem:s12+$0xB940]  }
.Ltmp7:
0x108: {  	v0 =	vld [tilespmem:s12+$0x11D20];
	[tilespmem:s1+$0xB950] =	vst v7;
	v7 =	vsub.f32 v8, v10;
	(pc) =	sbr.rel @p1 .LBB2_13-.Ltmp7, $4  }
0x109: {  	v13 =	vshll.u32 v14, $0x10;
	v4 =	vadd.f32 v9, v4;
	v2 =	vld [tilespmem:s12+$0x11D10];
	[tilespmem:s1+$0xB910] =	vst v3  }
0x10a: {  	v9 =	vshll.u32 v1, $0x10;
	v10 =	vmul.f32 v13, v16;
	v3 =	vld [tilespmem:s12+$0xB910];
	v11 =	vmul.f32 v14, v12;
	[tilespmem:s1+$0xB920] =	vst v7  }
0x10b: {  	v12 =	vmul.f32 v13, v12;
	v8 =	vmul.f32 v9, v5;
	v7 =	vld [tilespmem:s12+$0xB950];
	[tilespmem:s1+$0xB960] =	vst v4;
	s1 =	smov.u32 s12  }
0x10c: {  	v14 =	vmul.f32 v14, v16;
	v13 =	vmul.f32 v1, v6;
	v4 =	vld [tilespmem:s1+$0xB920]  }
0x10d: {  	v15 =	vld [tilespmem:s1+$0xB960]  }
0x10e: {  	v1 =	vmul.f32 v1, v5;
	v50 =	vmul.f32 v9, v6;
	v51 =	vsub.f32 v10, v11  }
0x10f: {  	v52 =	vshll.u32 v0, $0x10;
	v53 =	vadd.f32 v12, v14;
	v54 =	vshll.u32 v2, $0x10  }
0x110: {  	v8 =	vsub.f32 v8, v13;
	v55 =	vmul.f32 v2, v3;
	[tilespmem:s1+$0xB930] =	vst v51;
	v56 =	vmul.f32 v54, v7  }
0x111: {  	v1 =	vadd.f32 v50, v1;
	v58 =	vmul.f32 v54, v3;
	v57 =	vmul.f32 v2, v7;
	[tilespmem:s1+$0xB970] =	vst v53  }
0x112: {  	[tilespmem:s1+$0xB900] =	vst v8;
	v59 =	vmul.f32 v52, v4;
	v6 =	vadd.f32 v56, v55;
	v60 =	vmul.f32 v0, v15  }
0x113: {  	[tilespmem:s1+$0xB940] =	vst v1;
	v62 =	vmul.f32 v0, v4;
	v61 =	vmul.f32 v52, v15;
	v2 =	vsub.f32 v58, v57  }
0x114: {  	s0 =	sadd.s32 s5, s29;
	[tilespmem:s1+$0xB950] =	vst v6;
	v63 =	vsub.f32 v59, v60  }
0x115: {  	s0 =	smul.u32 $0x500, s0;
	[tilespmem:s1+$0xB910] =	vst v2;
	v0 =	vadd.f32 v61, v62  }
0x116: {  	[tilespmem:s1+$0xB920] =	vst v63  }
.Ltmp8:
0x117: {  	s0 =	sadd.s32 s3, s0;
	[tilespmem:s1+$0xB960] =	vst v0;
	(pc) =	sbr.rel @p0 .LBB2_16-.Ltmp8, $4  }
0x118: {  	[hbm4b:s0+s4] =	stream.linear.scatter [tilespmem:s24], [sflag:$0x2], $0x2800, $0x38;
	[tilespmem:$0x14500] =	vst v63  }
0x119: {  	_ =	swait.ge [sflag:s25], $0x2800  }
0x11a: {  	[sflag:s25] =	ssyncset.done $0x0  }
0x11b: {  	[sflag:s25] =	ssyncadd.s32 $0xFFFFD800  }
0x11c: {  	s0 =	smul.u32 $0x640, s28  }
.Ltmp9:
0x11d: {  	_ = 	snop;
	(pc) =	sbr.rel .LBB2_2-.Ltmp9, $4  }
0x11e: {  	_ = 	snop  }
0x11f: {  	s0 =	sshra.s32 s0, $0x2  }
0x120: {  	s28 =	sadd.s32 $0x1, s28;
	s0 =	sadd.s32 $0x280, s0  }
0x121: {  	[tilespmem:s22], [sflag:$0x1] =	stream.indirect.gather [hbm4b:s2+s16], $0x80, s0, s16, $0xb8;
	[tilespmem:$0x14500] =	vst v63  }
.LBB2_17:
0x122: {  	_ =	sfence.sel $0x180000  }
0x123: {  	[bflag:$0x0] =	sbarrier.arrive $0xFFFF  }
0x124: {  	_ =	strace $0x90000047  }
0x125: {  	s0 =	stileid.u32;
	[bflag:$0x2] =	sbarrier.arrive $0xFFFF  }
0x126: {  	p0 =	sne.s32 s0, $0x0;
	s0 =	rddreg [dreg:$0x3]  }
0x127: {  	s0 =	sadd.s32 @!p0 $0x100000, s0  }
0x128: {  	[sflag:s0] =	ssyncadd.tile.s32 @!p0 $0x1;
	_ =	shalt  }
.Lfunc_end2:
_tile_overlayer_lowered:
.L_overlay_start_2:
0x129: {  	(tag) =	ssettag $0x2  }
0x12a: {  	s0 =	rddreg [dreg:$0x0];
	s2 =	stileid.u32  }
0x12b: {  	s1 =	rddreg [dreg:$0x1];
	p0 =	sne.s32 s2, $0x0  }
0x12c: {  	s3 =	rddreg [dreg:$0x2];
	[bflag:$0x3] =	sbarrier.arrive $0xFFFF;
	s2 =	simm.s32 @!p0 $0x1C03  }
0x12d: {  	[timem:s3], [sflag:s2] =	dma.local @!p0 [hbm:s0], s1  }
0x12e: {  	s0 =	simm.s32 @!p0 $0x3  }
0x12f: {  	_ =	swait.ge @!p0 [sflag:s0], s1  }
0x130: {  	s1 =	ssub.s32 @!p0 $0x0, s1;
	[sflag:s0] =	ssyncset.done @!p0 $0x0  }
0x131: {  	[sflag:s0] =	ssyncadd.s32 @!p0 s1  }
0x132: {  	[bflag:$0x3] =	sbarrier.arrive $0xFFFF  }
0x133: {  	_ =	shalt  }

</sc_bundles>
